<compile_context>
chip_gen: v7x
topology: tpu7x:2x2x1
jax: 0.10.2.dev20260603
libtpu: 0.0.44.dev20260713+nightly
codegen_flags: <defaults>
</compile_context>

<pallas_src>
import functools

import jax
import jax.numpy as jnp
from jax import lax
from jax.experimental import pallas as pl
from jax.experimental.pallas import tpu as pltpu
from jax.experimental.pallas import tpu_sc as plsc

_NUM_CORES = 2
_NUM_SUBCORES = 16
_NUM_WORKERS = _NUM_CORES * _NUM_SUBCORES
_L = 16
_CHUNK = 32
_NBUF = 2
_UNROLL = 8


def kernel(data, partitions):
    n_rows, n_cols = data.shape
    partitions = partitions.astype(jnp.int32)
    rows_per_w = n_rows // _NUM_WORKERS
    n_vecs_total = n_rows // _L
    n_vecs_w = rows_per_w // _L
    n_chunks = rows_per_w // _CHUNK
    vecs_per_chunk = _CHUNK // _L
    mesh = plsc.VectorSubcoreMesh(
        core_axis_name="c", subcore_axis_name="s",
        num_cores=_NUM_CORES, num_subcores=_NUM_SUBCORES)

    @functools.partial(
        pl.kernel,
        mesh=mesh,
        compiler_params=pltpu.CompilerParams(needs_layout_passes=False),
        out_type=jax.ShapeDtypeStruct((n_rows, n_cols), data.dtype),
        scratch_types=[
            pltpu.VMEM((n_rows,), jnp.int32),
            pltpu.VMEM((n_chunks, _CHUNK), jnp.int32),
            pltpu.VMEM((_NBUF, _CHUNK, n_cols), jnp.float32),
            pltpu.SemaphoreType.DMA,
            pltpu.SemaphoreType.DMA,
            pltpu.SemaphoreType.DMA,
            pltpu.SemaphoreType.DMA,
        ],
    )
    def run(data_hbm, part_hbm, out_hbm, pv, idx, buf, *sems):
        sin = sems[:_NBUF]
        sout = sems[_NBUF:]
        wid = lax.axis_index("s") * _NUM_CORES + lax.axis_index("c")
        base = wid * rows_per_w
        base_vec = wid * n_vecs_w
        zero = jnp.zeros((_L,), jnp.int32)

        pltpu.sync_copy(part_hbm, pv)

        def count_body(g, accs):
            new = []
            for j, a in enumerate(accs):
                off = (g * _UNROLL + 2 * j) * _L
                a = a + pv[pl.ds(off, _L)] + pv[pl.ds(off + _L, _L)]
                new.append(a)
            return tuple(new)

        accs0 = (zero,) * (_UNROLL // 2)
        pre_accs = lax.fori_loop(0, base_vec // _UNROLL, count_body, accs0)
        tot_accs = lax.fori_loop(base_vec // _UNROLL, n_vecs_total // _UNROLL,
                                 count_body, pre_accs)
        ones_before = jnp.sum(sum(pre_accs, zero))
        ones_total = jnp.sum(sum(tot_accs, zero))
        zeros_total = n_rows - ones_total

        iota = lax.iota(jnp.int32, _L)

        def dest_body(k, ones_run):
            for j in range(vecs_per_chunk):
                kv = k * vecs_per_chunk + j
                v = pv[pl.ds((base_vec + kv) * _L, _L)]
                incl = plsc.cumsum(v)
                ones_excl = ones_run + incl - v
                row = base + kv * _L + iota
                dest = jnp.where(v == 0, row - ones_excl,
                                 zeros_total + ones_excl)
                idx[k, pl.ds(j * _L, _L)] = dest
                ones_run = ones_run + jnp.max(incl)
            return ones_run

        lax.fori_loop(0, n_chunks, dest_body, ones_before)

        n_groups = n_chunks // _NBUF

        def grp(g, carry):
            for b in range(_NBUF):
                k = g * _NBUF + b
                kp = (g - 1) * _NBUF + b

                @pl.when(g > 0)
                def _():
                    pltpu.make_async_copy(
                        buf.at[b], out_hbm.at[idx.at[kp]], sout[b]).wait()

                pltpu.async_copy(data_hbm.at[idx.at[k]], buf.at[b], sin[b])
            for b in range(_NBUF):
                k = g * _NBUF + b
                pltpu.make_async_copy(
                    data_hbm.at[idx.at[k]], buf.at[b], sin[b]).wait()
                pltpu.async_copy(buf.at[b], out_hbm.at[idx.at[k]], sout[b])
            return carry

        lax.fori_loop(0, n_groups, grp, 0)
        for b in range(_NBUF):
            k = (n_groups - 1) * _NBUF + b
            pltpu.make_async_copy(
                buf.at[b], out_hbm.at[idx.at[k]], sout[b]).wait()

    return run(data, partitions)

# --- scband reference (transcript-rebuilt; emitter-appended) ---
"""Pipeline reference for scband-dynamic-partition-mask-stitch-module-63599875719267 (READ-ONLY COPY).

The authoritative reference and input builder live on the scoring server;
editing this copy changes nothing except your own understanding.
"""

import jax, jax.numpy as jnp
import numpy as np


def setup_inputs(seed: int = 0) -> dict:
    key = jax.random.key(seed)
    k1, k2 = jax.random.split(key)
    data = jax.random.normal(k1, (32768, 1024), dtype=jnp.float32)
    partitions = jax.random.randint(k2, (32768,), 0, 2, dtype=jnp.int64)
    return {"data": data, "partitions": partitions}


def reference(data, partitions):
    # byteir.dynamic_partition(data, partitions, 2):
    #   part[p] = data[partitions == p] (rows grouped by partition id,
    #   preserving original relative order within each group).
    # A stable argsort by partition id yields the concatenation
    # [part0; part1] via a single gather.
    order = jnp.argsort(partitions, stable=True)
    parted = jnp.take(data, order, axis=0)  # rows of partition 0 followed by partition 1
    # byteir.dynamic_mask_stitch([part0, part1], partitions):
    #   scatter each partitioned row back to its original position, i.e.
    #   out[order[i]] = parted[i]. Net effect reconstructs the original order.
    out = jnp.zeros_like(data).at[order].set(parted)
    return out

if __name__ == "__main__":
    import jax
    _d = setup_inputs()
    print(jax.jit(kernel)(*tuple(_d.values())))

</pallas_src>

<mosaic_0001>
#map = affine_map<(d0, d1) -> (0, 0)>
#map1 = affine_map<(d0, d1) -> (0)>
module attributes {stable_mosaic.version = 14 : i64} {
  func.func @run(%arg0: i32, %arg1: i32, %arg2: memref<32768x1024xf32, #tpu.memory_space<hbm>>, %arg3: memref<32768xi32, #tpu.memory_space<hbm>>, %arg4: memref<32768x1024xf32, #tpu.memory_space<hbm>>, %arg5: memref<32768xi32, #tpu.memory_space<vmem>>, %arg6: memref<32x32xi32, #tpu.memory_space<vmem>>, %arg7: memref<2x32x1024xf32, #tpu.memory_space<vmem>>, %arg8: memref<!tpu.dma_semaphore, #tpu.memory_space<semaphore_mem>>, %arg9: memref<!tpu.dma_semaphore, #tpu.memory_space<semaphore_mem>>, %arg10: memref<!tpu.dma_semaphore, #tpu.memory_space<semaphore_mem>>, %arg11: memref<!tpu.dma_semaphore, #tpu.memory_space<semaphore_mem>>) attributes {dimension_semantics = [#tpu.dimension_semantics<core_parallel>, #tpu.dimension_semantics<subcore_parallel>], iteration_bounds = array<i64: 2, 16>, scalar_prefetch = 0 : i64, scratch_operands = 7 : i64, tpu.core_type = #tpu.core_type<sc_vector_subcore>, window_params = [{transform_indices = #map}, {transform_indices = #map1}, {transform_indices = #map}]} {
    %mul3A = arith.constant 2 : i32
    %mul3A_0 = arith.muli %arg1, %mul3A : i32
    %add3A = arith.addi %mul3A_0, %arg0 : i32
    %mul3A_1 = arith.constant 1024 : i32
    %mul3A_2 = arith.muli %add3A, %mul3A_1 : i32
    %mul3A_3 = arith.constant 64 : i32
    %mul3A_4 = arith.muli %add3A, %mul3A_3 : i32
    %broadcast_in_dim3A = arith.constant 0 : i32
    %broadcast_in_dim3A_5 = vector.broadcast %broadcast_in_dim3A : i32 to vector<16xi32>
    "tpu.region"() ({
      %run_scoped3A = tpu.sem_alloc : memref<!tpu.dma_semaphore, #tpu.memory_space<semaphore_mem>>
      tpu.enqueue_dma source(%arg3 : memref<32768xi32, #tpu.memory_space<hbm>>) target(%arg5 : memref<32768xi32, #tpu.memory_space<vmem>>) target_semaphore(%run_scoped3A : memref<!tpu.dma_semaphore, #tpu.memory_space<semaphore_mem>>)
      tpu.wait_dma2 semaphore(%run_scoped3A : memref<!tpu.dma_semaphore, #tpu.memory_space<semaphore_mem>>) src(%arg3 : memref<32768xi32, #tpu.memory_space<hbm>>) dst(%arg5 : memref<32768xi32, #tpu.memory_space<vmem>>)
      tpu.yield
    }) : () -> ()
    %jit3A = arith.constant 8 : i32
    %div3A = arith.divsi %mul3A_4, %jit3A : i32
    %sign3A = arith.constant 0 : i32
    %sign3A_6 = arith.cmpi sgt, %mul3A_4, %sign3A : i32
    %sign3A_7 = arith.extui %sign3A_6 : i1 to i32
    %sign3A_8 = arith.constant 0 : i32
    %sign3A_9 = arith.cmpi slt, %mul3A_4, %sign3A_8 : i32
    %sign3A_10 = arith.extui %sign3A_9 : i1 to i32
    %sign3A_11 = arith.subi %sign3A_7, %sign3A_10 : i32
    %sign3A_12 = arith.constant 0 : i32
    %sign3A_13 = arith.cmpi sgt, %jit3A, %sign3A_12 : i32
    %sign3A_14 = arith.extui %sign3A_13 : i1 to i32
    %sign3A_15 = arith.constant 0 : i32
    %sign3A_16 = arith.cmpi slt, %jit3A, %sign3A_15 : i32
    %sign3A_17 = arith.extui %sign3A_16 : i1 to i32
    %sign3A_18 = arith.subi %sign3A_14, %sign3A_17 : i32
    %ne3A = arith.cmpi ne, %sign3A_11, %sign3A_18 : i32
    %rem3A = arith.remsi %mul3A_4, %jit3A : i32
    %ne3A_19 = arith.constant 0 : i32
    %ne3A_20 = arith.cmpi ne, %rem3A, %ne3A_19 : i32
    %and3A = arith.andi %ne3A, %ne3A_20 : i1
    %sub3A = arith.constant 1 : i32
    %sub3A_21 = arith.subi %div3A, %sub3A : i32
    %select_n3A = arith.select %and3A, %sub3A_21, %div3A : i32
    %while3A = arith.constant 0 : i32
    %while3A_22 = arith.subi %select_n3A, %while3A : i32
    %while3A_23 = arith.addi %while3A, %while3A_22 : i32
    %while3A_24 = arith.constant 1 : i32
    %while3A_25 = arith.divsi %while3A_22, %while3A_24 : i32
    %while3A_26 = arith.muli %while3A_25, %while3A_24 : i32
    %while3A_27 = arith.addi %while3A, %while3A_26 : i32
    %while3A_28 = arith.constant 1 : i32
    %while3A_29:4 = scf.for %while3A_118 = %while3A to %while3A_27 step %while3A_28 iter_args(%while3A_119 = %broadcast_in_dim3A_5, %while3A_120 = %broadcast_in_dim3A_5, %while3A_121 = %broadcast_in_dim3A_5, %while3A_122 = %broadcast_in_dim3A_5) -> (vector<16xi32>, vector<16xi32>, vector<16xi32>, vector<16xi32>)  : i32 {
      %mul3A_123 = arith.constant 8 : i32
      %mul3A_124 = arith.muli %while3A_118, %mul3A_123 : i32
      %add3A_125 = arith.constant 0 : i32
      %add3A_126 = arith.addi %mul3A_124, %add3A_125 : i32
      %mul3A_127 = arith.constant 16 : i32
      %mul3A_128 = arith.muli %add3A_126, %mul3A_127 : i32
      %get3A = arith.index_cast %mul3A_128 : i32 to index
      %get3A_129 = tpu.vector_load %arg5[%get3A] {strides = array<i32>} : memref<32768xi32, #tpu.memory_space<vmem>>, vector<16xi32>,
      %add3A_130 = arith.addi %while3A_119, %get3A_129 : vector<16xi32>
      %add3A_131 = arith.constant 16 : i32
      %add3A_132 = arith.addi %mul3A_128, %add3A_131 : i32
      %get3A_133 = arith.index_cast %add3A_132 : i32 to index
      %get3A_134 = tpu.vector_load %arg5[%get3A_133] {strides = array<i32>} : memref<32768xi32, #tpu.memory_space<vmem>>, vector<16xi32>,
      %add3A_135 = arith.addi %add3A_130, %get3A_134 : vector<16xi32>
      %mul3A_136 = arith.constant 8 : i32
      %mul3A_137 = arith.muli %while3A_118, %mul3A_136 : i32
      %add3A_138 = arith.constant 2 : i32
      %add3A_139 = arith.addi %mul3A_137, %add3A_138 : i32
      %mul3A_140 = arith.constant 16 : i32
      %mul3A_141 = arith.muli %add3A_139, %mul3A_140 : i32
      %get3A_142 = arith.index_cast %mul3A_141 : i32 to index
      %get3A_143 = tpu.vector_load %arg5[%get3A_142] {strides = array<i32>} : memref<32768xi32, #tpu.memory_space<vmem>>, vector<16xi32>,
      %add3A_144 = arith.addi %while3A_120, %get3A_143 : vector<16xi32>
      %add3A_145 = arith.constant 16 : i32
      %add3A_146 = arith.addi %mul3A_141, %add3A_145 : i32
      %get3A_147 = arith.index_cast %add3A_146 : i32 to index
      %get3A_148 = tpu.vector_load %arg5[%get3A_147] {strides = array<i32>} : memref<32768xi32, #tpu.memory_space<vmem>>, vector<16xi32>,
      %add3A_149 = arith.addi %add3A_144, %get3A_148 : vector<16xi32>
      %mul3A_150 = arith.constant 8 : i32
      %mul3A_151 = arith.muli %while3A_118, %mul3A_150 : i32
      %add3A_152 = arith.constant 4 : i32
      %add3A_153 = arith.addi %mul3A_151, %add3A_152 : i32
      %mul3A_154 = arith.constant 16 : i32
      %mul3A_155 = arith.muli %add3A_153, %mul3A_154 : i32
      %get3A_156 = arith.index_cast %mul3A_155 : i32 to index
      %get3A_157 = tpu.vector_load %arg5[%get3A_156] {strides = array<i32>} : memref<32768xi32, #tpu.memory_space<vmem>>, vector<16xi32>,
      %add3A_158 = arith.addi %while3A_121, %get3A_157 : vector<16xi32>
      %add3A_159 = arith.constant 16 : i32
      %add3A_160 = arith.addi %mul3A_155, %add3A_159 : i32
      %get3A_161 = arith.index_cast %add3A_160 : i32 to index
      %get3A_162 = tpu.vector_load %arg5[%get3A_161] {strides = array<i32>} : memref<32768xi32, #tpu.memory_space<vmem>>, vector<16xi32>,
      %add3A_163 = arith.addi %add3A_158, %get3A_162 : vector<16xi32>
      %mul3A_164 = arith.constant 8 : i32
      %mul3A_165 = arith.muli %while3A_118, %mul3A_164 : i32
      %add3A_166 = arith.constant 6 : i32
      %add3A_167 = arith.addi %mul3A_165, %add3A_166 : i32
      %mul3A_168 = arith.constant 16 : i32
      %mul3A_169 = arith.muli %add3A_167, %mul3A_168 : i32
      %get3A_170 = arith.index_cast %mul3A_169 : i32 to index
      %get3A_171 = tpu.vector_load %arg5[%get3A_170] {strides = array<i32>} : memref<32768xi32, #tpu.memory_space<vmem>>, vector<16xi32>,
      %add3A_172 = arith.addi %while3A_122, %get3A_171 : vector<16xi32>
      %add3A_173 = arith.constant 16 : i32
      %add3A_174 = arith.addi %mul3A_169, %add3A_173 : i32
      %get3A_175 = arith.index_cast %add3A_174 : i32 to index
      %get3A_176 = tpu.vector_load %arg5[%get3A_175] {strides = array<i32>} : memref<32768xi32, #tpu.memory_space<vmem>>, vector<16xi32>,
      %add3A_177 = arith.addi %add3A_172, %get3A_176 : vector<16xi32>
      scf.yield %add3A_135, %add3A_149, %add3A_163, %add3A_177 : vector<16xi32>, vector<16xi32>, vector<16xi32>, vector<16xi32>
    }
    %while3A_30 = arith.constant 1 : i32
    %while3A_31:4 = scf.for %while3A_118 = %while3A_27 to %while3A_23 step %while3A_30 iter_args(%while3A_119 = %while3A_29#0, %while3A_120 = %while3A_29#1, %while3A_121 = %while3A_29#2, %while3A_122 = %while3A_29#3) -> (vector<16xi32>, vector<16xi32>, vector<16xi32>, vector<16xi32>)  : i32 {
      %mul3A_123 = arith.constant 8 : i32
      %mul3A_124 = arith.muli %while3A_118, %mul3A_123 : i32
      %add3A_125 = arith.constant 0 : i32
      %add3A_126 = arith.addi %mul3A_124, %add3A_125 : i32
      %mul3A_127 = arith.constant 16 : i32
      %mul3A_128 = arith.muli %add3A_126, %mul3A_127 : i32
      %get3A = arith.index_cast %mul3A_128 : i32 to index
      %get3A_129 = tpu.vector_load %arg5[%get3A] {strides = array<i32>} : memref<32768xi32, #tpu.memory_space<vmem>>, vector<16xi32>,
      %add3A_130 = arith.addi %while3A_119, %get3A_129 : vector<16xi32>
      %add3A_131 = arith.constant 16 : i32
      %add3A_132 = arith.addi %mul3A_128, %add3A_131 : i32
      %get3A_133 = arith.index_cast %add3A_132 : i32 to index
      %get3A_134 = tpu.vector_load %arg5[%get3A_133] {strides = array<i32>} : memref<32768xi32, #tpu.memory_space<vmem>>, vector<16xi32>,
      %add3A_135 = arith.addi %add3A_130, %get3A_134 : vector<16xi32>
      %mul3A_136 = arith.constant 8 : i32
      %mul3A_137 = arith.muli %while3A_118, %mul3A_136 : i32
      %add3A_138 = arith.constant 2 : i32
      %add3A_139 = arith.addi %mul3A_137, %add3A_138 : i32
      %mul3A_140 = arith.constant 16 : i32
      %mul3A_141 = arith.muli %add3A_139, %mul3A_140 : i32
      %get3A_142 = arith.index_cast %mul3A_141 : i32 to index
      %get3A_143 = tpu.vector_load %arg5[%get3A_142] {strides = array<i32>} : memref<32768xi32, #tpu.memory_space<vmem>>, vector<16xi32>,
      %add3A_144 = arith.addi %while3A_120, %get3A_143 : vector<16xi32>
      %add3A_145 = arith.constant 16 : i32
      %add3A_146 = arith.addi %mul3A_141, %add3A_145 : i32
      %get3A_147 = arith.index_cast %add3A_146 : i32 to index
      %get3A_148 = tpu.vector_load %arg5[%get3A_147] {strides = array<i32>} : memref<32768xi32, #tpu.memory_space<vmem>>, vector<16xi32>,
      %add3A_149 = arith.addi %add3A_144, %get3A_148 : vector<16xi32>
      %mul3A_150 = arith.constant 8 : i32
      %mul3A_151 = arith.muli %while3A_118, %mul3A_150 : i32
      %add3A_152 = arith.constant 4 : i32
      %add3A_153 = arith.addi %mul3A_151, %add3A_152 : i32
      %mul3A_154 = arith.constant 16 : i32
      %mul3A_155 = arith.muli %add3A_153, %mul3A_154 : i32
      %get3A_156 = arith.index_cast %mul3A_155 : i32 to index
      %get3A_157 = tpu.vector_load %arg5[%get3A_156] {strides = array<i32>} : memref<32768xi32, #tpu.memory_space<vmem>>, vector<16xi32>,
      %add3A_158 = arith.addi %while3A_121, %get3A_157 : vector<16xi32>
      %add3A_159 = arith.constant 16 : i32
      %add3A_160 = arith.addi %mul3A_155, %add3A_159 : i32
      %get3A_161 = arith.index_cast %add3A_160 : i32 to index
      %get3A_162 = tpu.vector_load %arg5[%get3A_161] {strides = array<i32>} : memref<32768xi32, #tpu.memory_space<vmem>>, vector<16xi32>,
      %add3A_163 = arith.addi %add3A_158, %get3A_162 : vector<16xi32>
      %mul3A_164 = arith.constant 8 : i32
      %mul3A_165 = arith.muli %while3A_118, %mul3A_164 : i32
      %add3A_166 = arith.constant 6 : i32
      %add3A_167 = arith.addi %mul3A_165, %add3A_166 : i32
      %mul3A_168 = arith.constant 16 : i32
      %mul3A_169 = arith.muli %add3A_167, %mul3A_168 : i32
      %get3A_170 = arith.index_cast %mul3A_169 : i32 to index
      %get3A_171 = tpu.vector_load %arg5[%get3A_170] {strides = array<i32>} : memref<32768xi32, #tpu.memory_space<vmem>>, vector<16xi32>,
      %add3A_172 = arith.addi %while3A_122, %get3A_171 : vector<16xi32>
      %add3A_173 = arith.constant 16 : i32
      %add3A_174 = arith.addi %mul3A_169, %add3A_173 : i32
      %get3A_175 = arith.index_cast %add3A_174 : i32 to index
      %get3A_176 = tpu.vector_load %arg5[%get3A_175] {strides = array<i32>} : memref<32768xi32, #tpu.memory_space<vmem>>, vector<16xi32>,
      %add3A_177 = arith.addi %add3A_172, %get3A_176 : vector<16xi32>
      scf.yield %add3A_135, %add3A_149, %add3A_163, %add3A_177 : vector<16xi32>, vector<16xi32>, vector<16xi32>, vector<16xi32>
    }
    %jit3A_32 = arith.constant 8 : i32
    %div3A_33 = arith.divsi %mul3A_4, %jit3A_32 : i32
    %sign3A_34 = arith.constant 0 : i32
    %sign3A_35 = arith.cmpi sgt, %mul3A_4, %sign3A_34 : i32
    %sign3A_36 = arith.extui %sign3A_35 : i1 to i32
    %sign3A_37 = arith.constant 0 : i32
    %sign3A_38 = arith.cmpi slt, %mul3A_4, %sign3A_37 : i32
    %sign3A_39 = arith.extui %sign3A_38 : i1 to i32
    %sign3A_40 = arith.subi %sign3A_36, %sign3A_39 : i32
    %sign3A_41 = arith.constant 0 : i32
    %sign3A_42 = arith.cmpi sgt, %jit3A_32, %sign3A_41 : i32
    %sign3A_43 = arith.extui %sign3A_42 : i1 to i32
    %sign3A_44 = arith.constant 0 : i32
    %sign3A_45 = arith.cmpi slt, %jit3A_32, %sign3A_44 : i32
    %sign3A_46 = arith.extui %sign3A_45 : i1 to i32
    %sign3A_47 = arith.subi %sign3A_43, %sign3A_46 : i32
    %ne3A_48 = arith.cmpi ne, %sign3A_40, %sign3A_47 : i32
    %rem3A_49 = arith.remsi %mul3A_4, %jit3A_32 : i32
    %ne3A_50 = arith.constant 0 : i32
    %ne3A_51 = arith.cmpi ne, %rem3A_49, %ne3A_50 : i32
    %and3A_52 = arith.andi %ne3A_48, %ne3A_51 : i1
    %sub3A_53 = arith.constant 1 : i32
    %sub3A_54 = arith.subi %div3A_33, %sub3A_53 : i32
    %select_n3A_55 = arith.select %and3A_52, %sub3A_54, %div3A_33 : i32
    %while3A_56 = arith.constant 256 : i32
    %while3A_57 = arith.subi %while3A_56, %select_n3A_55 : i32
    %while3A_58 = arith.addi %select_n3A_55, %while3A_57 : i32
    %while3A_59 = arith.constant 1 : i32
    %while3A_60 = arith.divsi %while3A_57, %while3A_59 : i32
    %while3A_61 = arith.muli %while3A_60, %while3A_59 : i32
    %while3A_62 = arith.addi %select_n3A_55, %while3A_61 : i32
    %while3A_63 = arith.constant 1 : i32
    %while3A_64:4 = scf.for %while3A_118 = %select_n3A_55 to %while3A_62 step %while3A_63 iter_args(%while3A_119 = %while3A_31#0, %while3A_120 = %while3A_31#1, %while3A_121 = %while3A_31#2, %while3A_122 = %while3A_31#3) -> (vector<16xi32>, vector<16xi32>, vector<16xi32>, vector<16xi32>)  : i32 {
      %mul3A_123 = arith.constant 8 : i32
      %mul3A_124 = arith.muli %while3A_118, %mul3A_123 : i32
      %add3A_125 = arith.constant 0 : i32
      %add3A_126 = arith.addi %mul3A_124, %add3A_125 : i32
      %mul3A_127 = arith.constant 16 : i32
      %mul3A_128 = arith.muli %add3A_126, %mul3A_127 : i32
      %get3A = arith.index_cast %mul3A_128 : i32 to index
      %get3A_129 = tpu.vector_load %arg5[%get3A] {strides = array<i32>} : memref<32768xi32, #tpu.memory_space<vmem>>, vector<16xi32>,
      %add3A_130 = arith.addi %while3A_119, %get3A_129 : vector<16xi32>
      %add3A_131 = arith.constant 16 : i32
      %add3A_132 = arith.addi %mul3A_128, %add3A_131 : i32
      %get3A_133 = arith.index_cast %add3A_132 : i32 to index
      %get3A_134 = tpu.vector_load %arg5[%get3A_133] {strides = array<i32>} : memref<32768xi32, #tpu.memory_space<vmem>>, vector<16xi32>,
      %add3A_135 = arith.addi %add3A_130, %get3A_134 : vector<16xi32>
      %mul3A_136 = arith.constant 8 : i32
      %mul3A_137 = arith.muli %while3A_118, %mul3A_136 : i32
      %add3A_138 = arith.constant 2 : i32
      %add3A_139 = arith.addi %mul3A_137, %add3A_138 : i32
      %mul3A_140 = arith.constant 16 : i32
      %mul3A_141 = arith.muli %add3A_139, %mul3A_140 : i32
      %get3A_142 = arith.index_cast %mul3A_141 : i32 to index
      %get3A_143 = tpu.vector_load %arg5[%get3A_142] {strides = array<i32>} : memref<32768xi32, #tpu.memory_space<vmem>>, vector<16xi32>,
      %add3A_144 = arith.addi %while3A_120, %get3A_143 : vector<16xi32>
      %add3A_145 = arith.constant 16 : i32
      %add3A_146 = arith.addi %mul3A_141, %add3A_145 : i32
      %get3A_147 = arith.index_cast %add3A_146 : i32 to index
      %get3A_148 = tpu.vector_load %arg5[%get3A_147] {strides = array<i32>} : memref<32768xi32, #tpu.memory_space<vmem>>, vector<16xi32>,
      %add3A_149 = arith.addi %add3A_144, %get3A_148 : vector<16xi32>
      %mul3A_150 = arith.constant 8 : i32
      %mul3A_151 = arith.muli %while3A_118, %mul3A_150 : i32
      %add3A_152 = arith.constant 4 : i32
      %add3A_153 = arith.addi %mul3A_151, %add3A_152 : i32
      %mul3A_154 = arith.constant 16 : i32
      %mul3A_155 = arith.muli %add3A_153, %mul3A_154 : i32
      %get3A_156 = arith.index_cast %mul3A_155 : i32 to index
      %get3A_157 = tpu.vector_load %arg5[%get3A_156] {strides = array<i32>} : memref<32768xi32, #tpu.memory_space<vmem>>, vector<16xi32>,
      %add3A_158 = arith.addi %while3A_121, %get3A_157 : vector<16xi32>
      %add3A_159 = arith.constant 16 : i32
      %add3A_160 = arith.addi %mul3A_155, %add3A_159 : i32
      %get3A_161 = arith.index_cast %add3A_160 : i32 to index
      %get3A_162 = tpu.vector_load %arg5[%get3A_161] {strides = array<i32>} : memref<32768xi32, #tpu.memory_space<vmem>>, vector<16xi32>,
      %add3A_163 = arith.addi %add3A_158, %get3A_162 : vector<16xi32>
      %mul3A_164 = arith.constant 8 : i32
      %mul3A_165 = arith.muli %while3A_118, %mul3A_164 : i32
      %add3A_166 = arith.constant 6 : i32
      %add3A_167 = arith.addi %mul3A_165, %add3A_166 : i32
      %mul3A_168 = arith.constant 16 : i32
      %mul3A_169 = arith.muli %add3A_167, %mul3A_168 : i32
      %get3A_170 = arith.index_cast %mul3A_169 : i32 to index
      %get3A_171 = tpu.vector_load %arg5[%get3A_170] {strides = array<i32>} : memref<32768xi32, #tpu.memory_space<vmem>>, vector<16xi32>,
      %add3A_172 = arith.addi %while3A_122, %get3A_171 : vector<16xi32>
      %add3A_173 = arith.constant 16 : i32
      %add3A_174 = arith.addi %mul3A_169, %add3A_173 : i32
      %get3A_175 = arith.index_cast %add3A_174 : i32 to index
      %get3A_176 = tpu.vector_load %arg5[%get3A_175] {strides = array<i32>} : memref<32768xi32, #tpu.memory_space<vmem>>, vector<16xi32>,
      %add3A_177 = arith.addi %add3A_172, %get3A_176 : vector<16xi32>
      scf.yield %add3A_135, %add3A_149, %add3A_163, %add3A_177 : vector<16xi32>, vector<16xi32>, vector<16xi32>, vector<16xi32>
    }
    %while3A_65 = arith.constant 1 : i32
    %while3A_66:4 = scf.for %while3A_118 = %while3A_62 to %while3A_58 step %while3A_65 iter_args(%while3A_119 = %while3A_64#0, %while3A_120 = %while3A_64#1, %while3A_121 = %while3A_64#2, %while3A_122 = %while3A_64#3) -> (vector<16xi32>, vector<16xi32>, vector<16xi32>, vector<16xi32>)  : i32 {
      %mul3A_123 = arith.constant 8 : i32
      %mul3A_124 = arith.muli %while3A_118, %mul3A_123 : i32
      %add3A_125 = arith.constant 0 : i32
      %add3A_126 = arith.addi %mul3A_124, %add3A_125 : i32
      %mul3A_127 = arith.constant 16 : i32
      %mul3A_128 = arith.muli %add3A_126, %mul3A_127 : i32
      %get3A = arith.index_cast %mul3A_128 : i32 to index
      %get3A_129 = tpu.vector_load %arg5[%get3A] {strides = array<i32>} : memref<32768xi32, #tpu.memory_space<vmem>>, vector<16xi32>,
      %add3A_130 = arith.addi %while3A_119, %get3A_129 : vector<16xi32>
      %add3A_131 = arith.constant 16 : i32
      %add3A_132 = arith.addi %mul3A_128, %add3A_131 : i32
      %get3A_133 = arith.index_cast %add3A_132 : i32 to index
      %get3A_134 = tpu.vector_load %arg5[%get3A_133] {strides = array<i32>} : memref<32768xi32, #tpu.memory_space<vmem>>, vector<16xi32>,
      %add3A_135 = arith.addi %add3A_130, %get3A_134 : vector<16xi32>
      %mul3A_136 = arith.constant 8 : i32
      %mul3A_137 = arith.muli %while3A_118, %mul3A_136 : i32
      %add3A_138 = arith.constant 2 : i32
      %add3A_139 = arith.addi %mul3A_137, %add3A_138 : i32
      %mul3A_140 = arith.constant 16 : i32
      %mul3A_141 = arith.muli %add3A_139, %mul3A_140 : i32
      %get3A_142 = arith.index_cast %mul3A_141 : i32 to index
      %get3A_143 = tpu.vector_load %arg5[%get3A_142] {strides = array<i32>} : memref<32768xi32, #tpu.memory_space<vmem>>, vector<16xi32>,
      %add3A_144 = arith.addi %while3A_120, %get3A_143 : vector<16xi32>
      %add3A_145 = arith.constant 16 : i32
      %add3A_146 = arith.addi %mul3A_141, %add3A_145 : i32
      %get3A_147 = arith.index_cast %add3A_146 : i32 to index
      %get3A_148 = tpu.vector_load %arg5[%get3A_147] {strides = array<i32>} : memref<32768xi32, #tpu.memory_space<vmem>>, vector<16xi32>,
      %add3A_149 = arith.addi %add3A_144, %get3A_148 : vector<16xi32>
      %mul3A_150 = arith.constant 8 : i32
      %mul3A_151 = arith.muli %while3A_118, %mul3A_150 : i32
      %add3A_152 = arith.constant 4 : i32
      %add3A_153 = arith.addi %mul3A_151, %add3A_152 : i32
      %mul3A_154 = arith.constant 16 : i32
      %mul3A_155 = arith.muli %add3A_153, %mul3A_154 : i32
      %get3A_156 = arith.index_cast %mul3A_155 : i32 to index
      %get3A_157 = tpu.vector_load %arg5[%get3A_156] {strides = array<i32>} : memref<32768xi32, #tpu.memory_space<vmem>>, vector<16xi32>,
      %add3A_158 = arith.addi %while3A_121, %get3A_157 : vector<16xi32>
      %add3A_159 = arith.constant 16 : i32
      %add3A_160 = arith.addi %mul3A_155, %add3A_159 : i32
      %get3A_161 = arith.index_cast %add3A_160 : i32 to index
      %get3A_162 = tpu.vector_load %arg5[%get3A_161] {strides = array<i32>} : memref<32768xi32, #tpu.memory_space<vmem>>, vector<16xi32>,
      %add3A_163 = arith.addi %add3A_158, %get3A_162 : vector<16xi32>
      %mul3A_164 = arith.constant 8 : i32
      %mul3A_165 = arith.muli %while3A_118, %mul3A_164 : i32
      %add3A_166 = arith.constant 6 : i32
      %add3A_167 = arith.addi %mul3A_165, %add3A_166 : i32
      %mul3A_168 = arith.constant 16 : i32
      %mul3A_169 = arith.muli %add3A_167, %mul3A_168 : i32
      %get3A_170 = arith.index_cast %mul3A_169 : i32 to index
      %get3A_171 = tpu.vector_load %arg5[%get3A_170] {strides = array<i32>} : memref<32768xi32, #tpu.memory_space<vmem>>, vector<16xi32>,
      %add3A_172 = arith.addi %while3A_122, %get3A_171 : vector<16xi32>
      %add3A_173 = arith.constant 16 : i32
      %add3A_174 = arith.addi %mul3A_169, %add3A_173 : i32
      %get3A_175 = arith.index_cast %add3A_174 : i32 to index
      %get3A_176 = tpu.vector_load %arg5[%get3A_175] {strides = array<i32>} : memref<32768xi32, #tpu.memory_space<vmem>>, vector<16xi32>,
      %add3A_177 = arith.addi %add3A_172, %get3A_176 : vector<16xi32>
      scf.yield %add3A_135, %add3A_149, %add3A_163, %add3A_177 : vector<16xi32>, vector<16xi32>, vector<16xi32>, vector<16xi32>
    }
    %add3A_67 = arith.addi %broadcast_in_dim3A_5, %while3A_31#0 : vector<16xi32>
    %add3A_68 = arith.addi %add3A_67, %while3A_31#1 : vector<16xi32>
    %add3A_69 = arith.addi %add3A_68, %while3A_31#2 : vector<16xi32>
    %add3A_70 = arith.addi %add3A_69, %while3A_31#3 : vector<16xi32>
    %reduce_sum3A = arith.constant true
    %reduce_sum3A_71 = vector.broadcast %reduce_sum3A : i1 to vector<16xi1>
    %reduce_sum3A_72 = tpu.scan <sum>, %add3A_70 masked %reduce_sum3A_71 : vector<16xi32>, vector<16xi1> -> vector<16xi32>
    %reduce_sum3A_73 = vector.extract %reduce_sum3A_72[15] : i32 from vector<16xi32>
    %add3A_74 = arith.addi %broadcast_in_dim3A_5, %while3A_66#0 : vector<16xi32>
    %add3A_75 = arith.addi %add3A_74, %while3A_66#1 : vector<16xi32>
    %add3A_76 = arith.addi %add3A_75, %while3A_66#2 : vector<16xi32>
    %add3A_77 = arith.addi %add3A_76, %while3A_66#3 : vector<16xi32>
    %reduce_sum3A_78 = arith.constant true
    %reduce_sum3A_79 = vector.broadcast %reduce_sum3A_78 : i1 to vector<16xi1>
    %reduce_sum3A_80 = tpu.scan <sum>, %add3A_77 masked %reduce_sum3A_79 : vector<16xi32>, vector<16xi1> -> vector<16xi32>
    %reduce_sum3A_81 = vector.extract %reduce_sum3A_80[15] : i32 from vector<16xi32>
    %sub3A_82 = arith.constant 32768 : i32
    %sub3A_83 = arith.subi %sub3A_82, %reduce_sum3A_81 : i32
    %iota3A = tpu.iota {dimensions = array<i32: 0>} : vector<16xi32>
    %scan3A = arith.constant 0 : i32
    %scan3A_84 = arith.constant 32 : i32
    %scan3A_85 = arith.addi %scan3A, %scan3A_84 : i32
    %scan3A_86 = arith.constant 1 : i32
    %scan3A_87 = scf.for %scan3A_118 = %scan3A to %scan3A_85 step %scan3A_86 iter_args(%scan3A_119 = %reduce_sum3A_73) -> (i32)  : i32 {
      %mul3A_120 = arith.constant 2 : i32
      %mul3A_121 = arith.muli %scan3A_118, %mul3A_120 : i32
      %add3A_122 = arith.constant 0 : i32
      %add3A_123 = arith.addi %mul3A_121, %add3A_122 : i32
      %add3A_124 = arith.addi %mul3A_4, %add3A_123 : i32
      %mul3A_125 = arith.constant 16 : i32
      %mul3A_126 = arith.muli %add3A_124, %mul3A_125 : i32
      %get3A = arith.index_cast %mul3A_126 : i32 to index
      %get3A_127 = tpu.vector_load %arg5[%get3A] {strides = array<i32>} : memref<32768xi32, #tpu.memory_space<vmem>>, vector<16xi32>,
      %broadcast_in_dim3A_128 = arith.constant true
      %broadcast_in_dim3A_129 = vector.broadcast %broadcast_in_dim3A_128 : i1 to vector<16xi1>
      %masked_cumsum3A = tpu.scan <sum>, %get3A_127 masked %broadcast_in_dim3A_129 : vector<16xi32>, vector<16xi1> -> vector<16xi32>
      %add3A_130 = vector.broadcast %scan3A_119 : i32 to vector<16xi32>
      %add3A_131 = arith.addi %add3A_130, %masked_cumsum3A : vector<16xi32>
      %sub3A_132 = arith.subi %add3A_131, %get3A_127 : vector<16xi32>
      %mul3A_133 = arith.constant 16 : i32
      %mul3A_134 = arith.muli %add3A_123, %mul3A_133 : i32
      %add3A_135 = arith.addi %mul3A_2, %mul3A_134 : i32
      %add3A_136 = vector.broadcast %add3A_135 : i32 to vector<16xi32>
      %add3A_137 = arith.addi %add3A_136, %iota3A : vector<16xi32>
      %eq3A = arith.constant 0 : i32
      %eq3A_138 = vector.broadcast %eq3A : i32 to vector<16xi32>
      %eq3A_139 = arith.cmpi eq, %get3A_127, %eq3A_138 : vector<16xi32>
      %sub3A_140 = arith.subi %add3A_137, %sub3A_132 : vector<16xi32>
      %add3A_141 = vector.broadcast %sub3A_83 : i32 to vector<16xi32>
      %add3A_142 = arith.addi %add3A_141, %sub3A_132 : vector<16xi32>
      %select_n3A_143 = arith.select %eq3A_139, %sub3A_140, %add3A_142 : vector<16xi1>, vector<16xi32>
      %swap3A = arith.index_cast %scan3A_118 : i32 to index
      %swap3A_144 = arith.constant 0 : index
      %swap3A_145 = tpu.vector_load %arg6[%swap3A, %swap3A_144] {strides = array<i32>} : memref<32x32xi32, #tpu.memory_space<vmem>>, vector<16xi32>,
      tpu.vector_store %arg6[%swap3A, %swap3A_144], %select_n3A_143 {strides = array<i32>} : memref<32x32xi32, #tpu.memory_space<vmem>>, vector<16xi32>,
      %reduce_max3A = arith.constant true
      %reduce_max3A_146 = vector.broadcast %reduce_max3A : i1 to vector<16xi1>
      %reduce_max3A_147 = arith.constant -2147483648 : i32
      %reduce_max3A_148 = vector.broadcast %reduce_max3A_147 : i32 to vector<16xi32>
      %reduce_max3A_149 = arith.xori %masked_cumsum3A, %reduce_max3A_148 : vector<16xi32>
      %reduce_max3A_150 = tpu.scan <max>, %reduce_max3A_149 masked %reduce_max3A_146 : vector<16xi32>, vector<16xi1> -> vector<16xi32>
      %reduce_max3A_151 = arith.xori %reduce_max3A_150, %reduce_max3A_148 : vector<16xi32>
      %reduce_max3A_152 = vector.extract %reduce_max3A_151[15] : i32 from vector<16xi32>
      %add3A_153 = arith.addi %scan3A_119, %reduce_max3A_152 : i32
      %mul3A_154 = arith.constant 2 : i32
      %mul3A_155 = arith.muli %scan3A_118, %mul3A_154 : i32
      %add3A_156 = arith.constant 1 : i32
      %add3A_157 = arith.addi %mul3A_155, %add3A_156 : i32
      %add3A_158 = arith.addi %mul3A_4, %add3A_157 : i32
      %mul3A_159 = arith.constant 16 : i32
      %mul3A_160 = arith.muli %add3A_158, %mul3A_159 : i32
      %get3A_161 = arith.index_cast %mul3A_160 : i32 to index
      %get3A_162 = tpu.vector_load %arg5[%get3A_161] {strides = array<i32>} : memref<32768xi32, #tpu.memory_space<vmem>>, vector<16xi32>,
      %broadcast_in_dim3A_163 = arith.constant true
      %broadcast_in_dim3A_164 = vector.broadcast %broadcast_in_dim3A_163 : i1 to vector<16xi1>
      %masked_cumsum3A_165 = tpu.scan <sum>, %get3A_162 masked %broadcast_in_dim3A_164 : vector<16xi32>, vector<16xi1> -> vector<16xi32>
      %add3A_166 = vector.broadcast %add3A_153 : i32 to vector<16xi32>
      %add3A_167 = arith.addi %add3A_166, %masked_cumsum3A_165 : vector<16xi32>
      %sub3A_168 = arith.subi %add3A_167, %get3A_162 : vector<16xi32>
      %mul3A_169 = arith.constant 16 : i32
      %mul3A_170 = arith.muli %add3A_157, %mul3A_169 : i32
      %add3A_171 = arith.addi %mul3A_2, %mul3A_170 : i32
      %add3A_172 = vector.broadcast %add3A_171 : i32 to vector<16xi32>
      %add3A_173 = arith.addi %add3A_172, %iota3A : vector<16xi32>
      %eq3A_174 = arith.constant 0 : i32
      %eq3A_175 = vector.broadcast %eq3A_174 : i32 to vector<16xi32>
      %eq3A_176 = arith.cmpi eq, %get3A_162, %eq3A_175 : vector<16xi32>
      %sub3A_177 = arith.subi %add3A_173, %sub3A_168 : vector<16xi32>
      %add3A_178 = vector.broadcast %sub3A_83 : i32 to vector<16xi32>
      %add3A_179 = arith.addi %add3A_178, %sub3A_168 : vector<16xi32>
      %select_n3A_180 = arith.select %eq3A_176, %sub3A_177, %add3A_179 : vector<16xi1>, vector<16xi32>
      %swap3A_181 = arith.index_cast %scan3A_118 : i32 to index
      %swap3A_182 = arith.constant 16 : index
      %swap3A_183 = tpu.vector_load %arg6[%swap3A_181, %swap3A_182] {strides = array<i32>} : memref<32x32xi32, #tpu.memory_space<vmem>>, vector<16xi32>,
      tpu.vector_store %arg6[%swap3A_181, %swap3A_182], %select_n3A_180 {strides = array<i32>} : memref<32x32xi32, #tpu.memory_space<vmem>>, vector<16xi32>,
      %reduce_max3A_184 = arith.constant true
      %reduce_max3A_185 = vector.broadcast %reduce_max3A_184 : i1 to vector<16xi1>
      %reduce_max3A_186 = arith.constant -2147483648 : i32
      %reduce_max3A_187 = vector.broadcast %reduce_max3A_186 : i32 to vector<16xi32>
      %reduce_max3A_188 = arith.xori %masked_cumsum3A_165, %reduce_max3A_187 : vector<16xi32>
      %reduce_max3A_189 = tpu.scan <max>, %reduce_max3A_188 masked %reduce_max3A_185 : vector<16xi32>, vector<16xi1> -> vector<16xi32>
      %reduce_max3A_190 = arith.xori %reduce_max3A_189, %reduce_max3A_187 : vector<16xi32>
      %reduce_max3A_191 = vector.extract %reduce_max3A_190[15] : i32 from vector<16xi32>
      %add3A_192 = arith.addi %add3A_153, %reduce_max3A_191 : i32
      scf.yield %add3A_192 : i32
    }
    %scan3A_88 = arith.constant 32 : i32
    %scan3A_89 = arith.constant 0 : i32
    %scan3A_90 = arith.constant 0 : i32
    %scan3A_91 = arith.constant 16 : i32
    %scan3A_92 = arith.addi %scan3A_90, %scan3A_91 : i32
    %scan3A_93 = arith.constant 1 : i32
    scf.for %scan3A_118 = %scan3A_90 to %scan3A_92 step %scan3A_93  : i32 {
      %mul3A_119 = arith.constant 2 : i32
      %mul3A_120 = arith.muli %scan3A_118, %mul3A_119 : i32
      %add3A_121 = arith.constant 0 : i32
      %add3A_122 = arith.addi %mul3A_120, %add3A_121 : i32
      %sub3A_123 = arith.constant 1 : i32
      %sub3A_124 = arith.subi %scan3A_118, %sub3A_123 : i32
      %mul3A_125 = arith.constant 2 : i32
      %mul3A_126 = arith.muli %sub3A_124, %mul3A_125 : i32
      %add3A_127 = arith.constant 0 : i32
      %add3A_128 = arith.addi %mul3A_126, %add3A_127 : i32
      %gt3A = arith.constant 0 : i32
      %gt3A_129 = arith.cmpi sgt, %scan3A_118, %gt3A : i32
      %convert_element_type3A = arith.extui %gt3A_129 : i1 to i32
      %cond3A = arith.constant 0 : i32
      %cond3A_130 = arith.cmpi ne, %convert_element_type3A, %cond3A : i32
      scf.if %cond3A_130 {
        %dma_wait3A_219 = arith.constant 0 : i32
        %dma_wait3A_220 = arith.constant 0 : i32
        %dma_wait3A_221 = arith.constant 0 : i32
        %dma_wait3A_222 = tpu.memref_slice %arg7[%dma_wait3A_219, %dma_wait3A_220, %dma_wait3A_221] : memref<2x32x1024xf32, #tpu.memory_space<vmem>> -> memref<1x32x1024xf32, #tpu.memory_space<vmem>>
        %dma_wait3A_223 = tpu.memref_squeeze %dma_wait3A_222 : memref<1x32x1024xf32, #tpu.memory_space<vmem>> -> memref<32x1024xf32, #tpu.memory_space<vmem>>
        %dma_wait3A_224 = arith.constant 0 : i32
        %dma_wait3A_225 = tpu.memref_slice %arg6[%add3A_128, %dma_wait3A_224] : memref<32x32xi32, #tpu.memory_space<vmem>> -> memref<1x32xi32, #tpu.memory_space<vmem>>
        %dma_wait3A_226 = tpu.memref_squeeze %dma_wait3A_225 : memref<1x32xi32, #tpu.memory_space<vmem>> -> memref<32xi32, #tpu.memory_space<vmem>>
        %dma_wait3A_227 = arith.constant 0 : i32
        %dma_wait3A_228 = arith.constant 0 : i32
        %dma_wait3A_229 = tpu.memref_slice %arg4[%dma_wait3A_227, %dma_wait3A_228] : memref<32768x1024xf32, #tpu.memory_space<hbm>> -> memref<32768x1024xf32, #tpu.memory_space<hbm>>
        tpu.wait_indirect_dma semaphore(%arg10 : memref<!tpu.dma_semaphore, #tpu.memory_space<semaphore_mem>>) src(%dma_wait3A_223 : memref<32x1024xf32, #tpu.memory_space<vmem>>) dst(%dma_wait3A_229 : memref<32768x1024xf32, #tpu.memory_space<hbm>>)
      } else {
      }
      %dma_start3A = arith.constant 0 : i32
      %dma_start3A_131 = arith.constant 0 : i32
      %dma_start3A_132 = arith.constant 0 : i32
      %dma_start3A_133 = tpu.memref_slice %arg7[%dma_start3A, %dma_start3A_131, %dma_start3A_132] : memref<2x32x1024xf32, #tpu.memory_space<vmem>> -> memref<1x32x1024xf32, #tpu.memory_space<vmem>>
      %dma_start3A_134 = tpu.memref_squeeze %dma_start3A_133 : memref<1x32x1024xf32, #tpu.memory_space<vmem>> -> memref<32x1024xf32, #tpu.memory_space<vmem>>
      %dma_start3A_135 = arith.constant 0 : i32
      %dma_start3A_136 = tpu.memref_slice %arg6[%add3A_122, %dma_start3A_135] : memref<32x32xi32, #tpu.memory_space<vmem>> -> memref<1x32xi32, #tpu.memory_space<vmem>>
      %dma_start3A_137 = tpu.memref_squeeze %dma_start3A_136 : memref<1x32xi32, #tpu.memory_space<vmem>> -> memref<32xi32, #tpu.memory_space<vmem>>
      %dma_start3A_138 = arith.constant 0 : i32
      %dma_start3A_139 = arith.constant 0 : i32
      %dma_start3A_140 = tpu.memref_slice %arg2[%dma_start3A_138, %dma_start3A_139] : memref<32768x1024xf32, #tpu.memory_space<hbm>> -> memref<32768x1024xf32, #tpu.memory_space<hbm>>
      tpu.enqueue_indirect_dma source(%dma_start3A_140 : memref<32768x1024xf32, #tpu.memory_space<hbm>>) target(%dma_start3A_134 : memref<32x1024xf32, #tpu.memory_space<vmem>>) offsets(%dma_start3A_137 : memref<32xi32, #tpu.memory_space<vmem>>) semaphore(%arg8 : memref<!tpu.dma_semaphore, #tpu.memory_space<semaphore_mem>>)
      %mul3A_141 = arith.constant 2 : i32
      %mul3A_142 = arith.muli %scan3A_118, %mul3A_141 : i32
      %add3A_143 = arith.constant 1 : i32
      %add3A_144 = arith.addi %mul3A_142, %add3A_143 : i32
      %sub3A_145 = arith.constant 1 : i32
      %sub3A_146 = arith.subi %scan3A_118, %sub3A_145 : i32
      %mul3A_147 = arith.constant 2 : i32
      %mul3A_148 = arith.muli %sub3A_146, %mul3A_147 : i32
      %add3A_149 = arith.constant 1 : i32
      %add3A_150 = arith.addi %mul3A_148, %add3A_149 : i32
      %gt3A_151 = arith.constant 0 : i32
      %gt3A_152 = arith.cmpi sgt, %scan3A_118, %gt3A_151 : i32
      %convert_element_type3A_153 = arith.extui %gt3A_152 : i1 to i32
      %cond3A_154 = arith.constant 0 : i32
      %cond3A_155 = arith.cmpi ne, %convert_element_type3A_153, %cond3A_154 : i32
      scf.if %cond3A_155 {
        %dma_wait3A_219 = arith.constant 1 : i32
        %dma_wait3A_220 = arith.constant 0 : i32
        %dma_wait3A_221 = arith.constant 0 : i32
        %dma_wait3A_222 = tpu.memref_slice %arg7[%dma_wait3A_219, %dma_wait3A_220, %dma_wait3A_221] : memref<2x32x1024xf32, #tpu.memory_space<vmem>> -> memref<1x32x1024xf32, #tpu.memory_space<vmem>>
        %dma_wait3A_223 = tpu.memref_squeeze %dma_wait3A_222 : memref<1x32x1024xf32, #tpu.memory_space<vmem>> -> memref<32x1024xf32, #tpu.memory_space<vmem>>
        %dma_wait3A_224 = arith.constant 0 : i32
        %dma_wait3A_225 = tpu.memref_slice %arg6[%add3A_150, %dma_wait3A_224] : memref<32x32xi32, #tpu.memory_space<vmem>> -> memref<1x32xi32, #tpu.memory_space<vmem>>
        %dma_wait3A_226 = tpu.memref_squeeze %dma_wait3A_225 : memref<1x32xi32, #tpu.memory_space<vmem>> -> memref<32xi32, #tpu.memory_space<vmem>>
        %dma_wait3A_227 = arith.constant 0 : i32
        %dma_wait3A_228 = arith.constant 0 : i32
        %dma_wait3A_229 = tpu.memref_slice %arg4[%dma_wait3A_227, %dma_wait3A_228] : memref<32768x1024xf32, #tpu.memory_space<hbm>> -> memref<32768x1024xf32, #tpu.memory_space<hbm>>
        tpu.wait_indirect_dma semaphore(%arg11 : memref<!tpu.dma_semaphore, #tpu.memory_space<semaphore_mem>>) src(%dma_wait3A_223 : memref<32x1024xf32, #tpu.memory_space<vmem>>) dst(%dma_wait3A_229 : memref<32768x1024xf32, #tpu.memory_space<hbm>>)
      } else {
      }
      %dma_start3A_156 = arith.constant 1 : i32
      %dma_start3A_157 = arith.constant 0 : i32
      %dma_start3A_158 = arith.constant 0 : i32
      %dma_start3A_159 = tpu.memref_slice %arg7[%dma_start3A_156, %dma_start3A_157, %dma_start3A_158] : memref<2x32x1024xf32, #tpu.memory_space<vmem>> -> memref<1x32x1024xf32, #tpu.memory_space<vmem>>
      %dma_start3A_160 = tpu.memref_squeeze %dma_start3A_159 : memref<1x32x1024xf32, #tpu.memory_space<vmem>> -> memref<32x1024xf32, #tpu.memory_space<vmem>>
      %dma_start3A_161 = arith.constant 0 : i32
      %dma_start3A_162 = tpu.memref_slice %arg6[%add3A_144, %dma_start3A_161] : memref<32x32xi32, #tpu.memory_space<vmem>> -> memref<1x32xi32, #tpu.memory_space<vmem>>
      %dma_start3A_163 = tpu.memref_squeeze %dma_start3A_162 : memref<1x32xi32, #tpu.memory_space<vmem>> -> memref<32xi32, #tpu.memory_space<vmem>>
      %dma_start3A_164 = arith.constant 0 : i32
      %dma_start3A_165 = arith.constant 0 : i32
      %dma_start3A_166 = tpu.memref_slice %arg2[%dma_start3A_164, %dma_start3A_165] : memref<32768x1024xf32, #tpu.memory_space<hbm>> -> memref<32768x1024xf32, #tpu.memory_space<hbm>>
      tpu.enqueue_indirect_dma source(%dma_start3A_166 : memref<32768x1024xf32, #tpu.memory_space<hbm>>) target(%dma_start3A_160 : memref<32x1024xf32, #tpu.memory_space<vmem>>) offsets(%dma_start3A_163 : memref<32xi32, #tpu.memory_space<vmem>>) semaphore(%arg9 : memref<!tpu.dma_semaphore, #tpu.memory_space<semaphore_mem>>)
      %mul3A_167 = arith.constant 2 : i32
      %mul3A_168 = arith.muli %scan3A_118, %mul3A_167 : i32
      %add3A_169 = arith.constant 0 : i32
      %add3A_170 = arith.addi %mul3A_168, %add3A_169 : i32
      %dma_wait3A_171 = arith.constant 0 : i32
      %dma_wait3A_172 = arith.constant 0 : i32
      %dma_wait3A_173 = arith.constant 0 : i32
      %dma_wait3A_174 = tpu.memref_slice %arg7[%dma_wait3A_171, %dma_wait3A_172, %dma_wait3A_173] : memref<2x32x1024xf32, #tpu.memory_space<vmem>> -> memref<1x32x1024xf32, #tpu.memory_space<vmem>>
      %dma_wait3A_175 = tpu.memref_squeeze %dma_wait3A_174 : memref<1x32x1024xf32, #tpu.memory_space<vmem>> -> memref<32x1024xf32, #tpu.memory_space<vmem>>
      %dma_wait3A_176 = arith.constant 0 : i32
      %dma_wait3A_177 = tpu.memref_slice %arg6[%add3A_170, %dma_wait3A_176] : memref<32x32xi32, #tpu.memory_space<vmem>> -> memref<1x32xi32, #tpu.memory_space<vmem>>
      %dma_wait3A_178 = tpu.memref_squeeze %dma_wait3A_177 : memref<1x32xi32, #tpu.memory_space<vmem>> -> memref<32xi32, #tpu.memory_space<vmem>>
      %dma_wait3A_179 = arith.constant 0 : i32
      %dma_wait3A_180 = arith.constant 0 : i32
      %dma_wait3A_181 = tpu.memref_slice %arg2[%dma_wait3A_179, %dma_wait3A_180] : memref<32768x1024xf32, #tpu.memory_space<hbm>> -> memref<32768x1024xf32, #tpu.memory_space<hbm>>
      tpu.wait_indirect_dma semaphore(%arg8 : memref<!tpu.dma_semaphore, #tpu.memory_space<semaphore_mem>>) src(%dma_wait3A_181 : memref<32768x1024xf32, #tpu.memory_space<hbm>>) dst(%dma_wait3A_175 : memref<32x1024xf32, #tpu.memory_space<vmem>>)
      %dma_start3A_182 = arith.constant 0 : i32
      %dma_start3A_183 = arith.constant 0 : i32
      %dma_start3A_184 = arith.constant 0 : i32
      %dma_start3A_185 = tpu.memref_slice %arg7[%dma_start3A_182, %dma_start3A_183, %dma_start3A_184] : memref<2x32x1024xf32, #tpu.memory_space<vmem>> -> memref<1x32x1024xf32, #tpu.memory_space<vmem>>
      %dma_start3A_186 = tpu.memref_squeeze %dma_start3A_185 : memref<1x32x1024xf32, #tpu.memory_space<vmem>> -> memref<32x1024xf32, #tpu.memory_space<vmem>>
      %dma_start3A_187 = arith.constant 0 : i32
      %dma_start3A_188 = tpu.memref_slice %arg6[%add3A_170, %dma_start3A_187] : memref<32x32xi32, #tpu.memory_space<vmem>> -> memref<1x32xi32, #tpu.memory_space<vmem>>
      %dma_start3A_189 = tpu.memref_squeeze %dma_start3A_188 : memref<1x32xi32, #tpu.memory_space<vmem>> -> memref<32xi32, #tpu.memory_space<vmem>>
      %dma_start3A_190 = arith.constant 0 : i32
      %dma_start3A_191 = arith.constant 0 : i32
      %dma_start3A_192 = tpu.memref_slice %arg4[%dma_start3A_190, %dma_start3A_191] : memref<32768x1024xf32, #tpu.memory_space<hbm>> -> memref<32768x1024xf32, #tpu.memory_space<hbm>>
      tpu.enqueue_indirect_dma source(%dma_start3A_186 : memref<32x1024xf32, #tpu.memory_space<vmem>>) target(%dma_start3A_192 : memref<32768x1024xf32, #tpu.memory_space<hbm>>) offsets(%dma_start3A_189 : memref<32xi32, #tpu.memory_space<vmem>>) semaphore(%arg10 : memref<!tpu.dma_semaphore, #tpu.memory_space<semaphore_mem>>)
      %mul3A_193 = arith.constant 2 : i32
      %mul3A_194 = arith.muli %scan3A_118, %mul3A_193 : i32
      %add3A_195 = arith.constant 1 : i32
      %add3A_196 = arith.addi %mul3A_194, %add3A_195 : i32
      %dma_wait3A_197 = arith.constant 1 : i32
      %dma_wait3A_198 = arith.constant 0 : i32
      %dma_wait3A_199 = arith.constant 0 : i32
      %dma_wait3A_200 = tpu.memref_slice %arg7[%dma_wait3A_197, %dma_wait3A_198, %dma_wait3A_199] : memref<2x32x1024xf32, #tpu.memory_space<vmem>> -> memref<1x32x1024xf32, #tpu.memory_space<vmem>>
      %dma_wait3A_201 = tpu.memref_squeeze %dma_wait3A_200 : memref<1x32x1024xf32, #tpu.memory_space<vmem>> -> memref<32x1024xf32, #tpu.memory_space<vmem>>
      %dma_wait3A_202 = arith.constant 0 : i32
      %dma_wait3A_203 = tpu.memref_slice %arg6[%add3A_196, %dma_wait3A_202] : memref<32x32xi32, #tpu.memory_space<vmem>> -> memref<1x32xi32, #tpu.memory_space<vmem>>
      %dma_wait3A_204 = tpu.memref_squeeze %dma_wait3A_203 : memref<1x32xi32, #tpu.memory_space<vmem>> -> memref<32xi32, #tpu.memory_space<vmem>>
      %dma_wait3A_205 = arith.constant 0 : i32
      %dma_wait3A_206 = arith.constant 0 : i32
      %dma_wait3A_207 = tpu.memref_slice %arg2[%dma_wait3A_205, %dma_wait3A_206] : memref<32768x1024xf32, #tpu.memory_space<hbm>> -> memref<32768x1024xf32, #tpu.memory_space<hbm>>
      tpu.wait_indirect_dma semaphore(%arg9 : memref<!tpu.dma_semaphore, #tpu.memory_space<semaphore_mem>>) src(%dma_wait3A_207 : memref<32768x1024xf32, #tpu.memory_space<hbm>>) dst(%dma_wait3A_201 : memref<32x1024xf32, #tpu.memory_space<vmem>>)
      %dma_start3A_208 = arith.constant 1 : i32
      %dma_start3A_209 = arith.constant 0 : i32
      %dma_start3A_210 = arith.constant 0 : i32
      %dma_start3A_211 = tpu.memref_slice %arg7[%dma_start3A_208, %dma_start3A_209, %dma_start3A_210] : memref<2x32x1024xf32, #tpu.memory_space<vmem>> -> memref<1x32x1024xf32, #tpu.memory_space<vmem>>
      %dma_start3A_212 = tpu.memref_squeeze %dma_start3A_211 : memref<1x32x1024xf32, #tpu.memory_space<vmem>> -> memref<32x1024xf32, #tpu.memory_space<vmem>>
      %dma_start3A_213 = arith.constant 0 : i32
      %dma_start3A_214 = tpu.memref_slice %arg6[%add3A_196, %dma_start3A_213] : memref<32x32xi32, #tpu.memory_space<vmem>> -> memref<1x32xi32, #tpu.memory_space<vmem>>
      %dma_start3A_215 = tpu.memref_squeeze %dma_start3A_214 : memref<1x32xi32, #tpu.memory_space<vmem>> -> memref<32xi32, #tpu.memory_space<vmem>>
      %dma_start3A_216 = arith.constant 0 : i32
      %dma_start3A_217 = arith.constant 0 : i32
      %dma_start3A_218 = tpu.memref_slice %arg4[%dma_start3A_216, %dma_start3A_217] : memref<32768x1024xf32, #tpu.memory_space<hbm>> -> memref<32768x1024xf32, #tpu.memory_space<hbm>>
      tpu.enqueue_indirect_dma source(%dma_start3A_212 : memref<32x1024xf32, #tpu.memory_space<vmem>>) target(%dma_start3A_218 : memref<32768x1024xf32, #tpu.memory_space<hbm>>) offsets(%dma_start3A_215 : memref<32xi32, #tpu.memory_space<vmem>>) semaphore(%arg11 : memref<!tpu.dma_semaphore, #tpu.memory_space<semaphore_mem>>)
    }
    %scan3A_94 = arith.constant 16 : i32
    %dma_wait3A = arith.constant 0 : i32
    %dma_wait3A_95 = arith.constant 30 : i32
    %dma_wait3A_96 = arith.constant 0 : i32
    %dma_wait3A_97 = arith.constant 0 : i32
    %dma_wait3A_98 = tpu.memref_slice %arg7[%dma_wait3A, %dma_wait3A_96, %dma_wait3A_97] : memref<2x32x1024xf32, #tpu.memory_space<vmem>> -> memref<1x32x1024xf32, #tpu.memory_space<vmem>>
    %dma_wait3A_99 = tpu.memref_squeeze %dma_wait3A_98 : memref<1x32x1024xf32, #tpu.memory_space<vmem>> -> memref<32x1024xf32, #tpu.memory_space<vmem>>
    %dma_wait3A_100 = arith.constant 0 : i32
    %dma_wait3A_101 = tpu.memref_slice %arg6[%dma_wait3A_95, %dma_wait3A_100] : memref<32x32xi32, #tpu.memory_space<vmem>> -> memref<1x32xi32, #tpu.memory_space<vmem>>
    %dma_wait3A_102 = tpu.memref_squeeze %dma_wait3A_101 : memref<1x32xi32, #tpu.memory_space<vmem>> -> memref<32xi32, #tpu.memory_space<vmem>>
    %dma_wait3A_103 = arith.constant 0 : i32
    %dma_wait3A_104 = arith.constant 0 : i32
    %dma_wait3A_105 = tpu.memref_slice %arg4[%dma_wait3A_103, %dma_wait3A_104] : memref<32768x1024xf32, #tpu.memory_space<hbm>> -> memref<32768x1024xf32, #tpu.memory_space<hbm>>
    tpu.wait_indirect_dma semaphore(%arg10 : memref<!tpu.dma_semaphore, #tpu.memory_space<semaphore_mem>>) src(%dma_wait3A_99 : memref<32x1024xf32, #tpu.memory_space<vmem>>) dst(%dma_wait3A_105 : memref<32768x1024xf32, #tpu.memory_space<hbm>>)
    %dma_wait3A_106 = arith.constant 1 : i32
    %dma_wait3A_107 = arith.constant 31 : i32
    %dma_wait3A_108 = arith.constant 0 : i32
    %dma_wait3A_109 = arith.constant 0 : i32
    %dma_wait3A_110 = tpu.memref_slice %arg7[%dma_wait3A_106, %dma_wait3A_108, %dma_wait3A_109] : memref<2x32x1024xf32, #tpu.memory_space<vmem>> -> memref<1x32x1024xf32, #tpu.memory_space<vmem>>
    %dma_wait3A_111 = tpu.memref_squeeze %dma_wait3A_110 : memref<1x32x1024xf32, #tpu.memory_space<vmem>> -> memref<32x1024xf32, #tpu.memory_space<vmem>>
    %dma_wait3A_112 = arith.constant 0 : i32
    %dma_wait3A_113 = tpu.memref_slice %arg6[%dma_wait3A_107, %dma_wait3A_112] : memref<32x32xi32, #tpu.memory_space<vmem>> -> memref<1x32xi32, #tpu.memory_space<vmem>>
    %dma_wait3A_114 = tpu.memref_squeeze %dma_wait3A_113 : memref<1x32xi32, #tpu.memory_space<vmem>> -> memref<32xi32, #tpu.memory_space<vmem>>
    %dma_wait3A_115 = arith.constant 0 : i32
    %dma_wait3A_116 = arith.constant 0 : i32
    %dma_wait3A_117 = tpu.memref_slice %arg4[%dma_wait3A_115, %dma_wait3A_116] : memref<32768x1024xf32, #tpu.memory_space<hbm>> -> memref<32768x1024xf32, #tpu.memory_space<hbm>>
    tpu.wait_indirect_dma semaphore(%arg11 : memref<!tpu.dma_semaphore, #tpu.memory_space<semaphore_mem>>) src(%dma_wait3A_111 : memref<32x1024xf32, #tpu.memory_space<vmem>>) dst(%dma_wait3A_117 : memref<32768x1024xf32, #tpu.memory_space<hbm>>)
    return
  }
}

</mosaic_0001>

<sc_bundles>
// kernel: kernel.3.cloned.1.call-start
scs
__scs_entry_jumppad:
0x0: {  	(pc) =	sbr.rel $0x88, $3  }
0x1: {  	(tag) =	ssettag $0x0;
	lr =	simm.s32 $0x1  }
0x2: {  	[smem:$0x3F9F] =	sst lr;
	_ =	strace $0xD0000000  }
0x3: {  	_ = 	snop  }
0x4: {  	_ = 	snop  }
0x5: {  	_ = 	snop  }
0x6: {  	_ = 	snop  }
0x7: {  	_ = 	snop  }
__scs_overlays_trampoline_lowered:
0x8: {  	[smem:$0x3FAE] =	sst s0  }
0x9: {  	[smem:$0x3FAF] =	sst s1  }
0xa: {  	[smem:$0x3FB0] =	sst s2  }
0xb: {  	[smem:$0x3FB1] =	sst s3  }
0xc: {  	[smem:$0x3FB2] =	sst s4  }
0xd: {  	[smem:$0x3FB3] =	sst s5  }
0xe: {  	[smem:$0x3FB4] =	sst s6  }
0xf: {  	[smem:$0x3FB5] =	sst s7  }
0x10: {  	[smem:$0x3FB6] =	sst s8  }
0x11: {  	[smem:$0x3FB7] =	sst s9;
	s0 =	simm.s32 @!p0 $0x0  }
0x12: {  	s1 =	sld [smem:$0x3F9D];
	s0 =	simm.s32 @p0 $0x1  }
0x13: {  	[smem:$0x3FB8] =	sst s0;
	s0 =	simm.s32 @!p1 $0x0  }
0x14: {  	s2 =	sld [smem:$0x3F9C];
	s0 =	simm.s32 @p1 $0x1  }
0x15: {  	[smem:$0x3FB9] =	sst s0;
	s0 =	simm.s32 @!p2 $0x0  }
0x16: {  	s3 =	sld [smem:$0x3FDB];
	s0 =	simm.s32 @p2 $0x1  }
0x17: {  	s4 =	simm.s32 $0x1BF5;
	[smem:$0x3FBB] =	sst s0  }
0x18: {  	s0 =	sld [smem:$0x3F9E];
	_ =	swait.ge [sflag:s4], $0x0  }
0x19: {  	s7 =	sld [smem:$0x3F9F]  }
0x1a: {  	s8 =	sadd.s32 $0xFFFFE003, lr  }
0x1b: {  	s9 =	sadd.s32 $0xFFFFFEF7, lr;
	s5 =	simm.s32 $0xFFFFFFFF;
	p2 =	slt.u32 s8, $0xFFFFF086  }
0x1c: {  	p1 =	slt.u32 s9, $0xF7A;
	s5 =	simm.s32 @!p2 $0x0  }
0x1d: {  	s5 =	simm.s32 @p1 $0x1;
	p0 =	seq.s32 s7, s2  }
0x1e: {  	s7 =	smul.u32 @!p0 $0xF7A, s2;
	p2 =	seq.s32 @!p0 s5, $0x0  }
0x1f: {  	s9 =	smul.u32 $0xF7A, s1;
	s8 =	simm.s32 @!p0 $0x1BF5;
	p2 =	por !p2, p0  }
0x20: {  	[sflag:s8] =	ssyncset.s32 @!p0 $0xFFFFF086;
	s6 =	sadd.s32 @!p0 s3, s7;
	s7 =	simm.s32 @!p0 $0x108  }
0x21: {  	s3 =	sadd.s32 s3, s9;
	s6 =	sadd.s32 @!p0 $0x88, s6;
	s7 =	simm.s32 @p2 $0x1082  }
0x22: {  	[simem:s7], [sflag:s8] =	dma.local @!p0 [hbm:s6], $0xF7A  }
0x23: {  	s9 =	sor.u32 $0xD0000000, s2;
	s6 =	simm.s32 $0x108;
	_ =	swait.ge @!p0 [sflag:s8], $0x0  }
0x24: {  	s3 =	sadd.s32 $0x88, s3;
	s6 =	simm.s32 @!p1 $0x1082;
	[sflag:s4] =	ssyncset.s32 $0xFFFFF086  }
0x25: {  	[simem:s6], [sflag:s4] =	dma.local [hbm:s3], $0xF7A  }
0x26: {  	[smem:$0x3F9F] =	sst s1;
	(tag) =	ssettag s2;
	_ =	strace s9  }
0x27: {  	s1 =	sld [smem:$0x3FAF]  }
0x28: {  	s2 =	sld [smem:$0x3FB0]  }
0x29: {  	s4 =	sld [smem:$0x3FB2]  }
0x2a: {  	p0 =	seq.s32 s5, $0x0;
	s5 =	sld [smem:$0x3FB3]  }
0x2b: {  	s6 =	sld [smem:$0x3FB4]  }
0x2c: {  	s7 =	sld [smem:$0x3FB5]  }
0x2d: {  	s3 =	simm.s32 $0x108;
	s8 =	sld [smem:$0x3FB6]  }
0x2e: {  	s3 =	simm.s32 @!p0 $0x1082;
	s9 =	sld [smem:$0x3FB7]  }
0x2f: {  	lr =	sadd.s32 s0, s3;
	s0 =	sld [smem:$0x3FAE]  }
0x30: {  	s3 =	sld [smem:$0x3FB1]  }
0x31: {  	[smem:$0x3FBA] =	sst s10  }
0x32: {  	s10 =	sld [smem:$0x3FB8];
	_ =	sdelay $0x3  }
0x33: {  	p0 =	seq.s32 s10, $0x1;
	s10 =	sld [smem:$0x3FBA];
	_ =	sdelay $0x3  }
0x34: {  	[smem:$0x3FBA] =	sst s10  }
0x35: {  	s10 =	sld [smem:$0x3FB9];
	_ =	sdelay $0x3  }
0x36: {  	p1 =	seq.s32 s10, $0x1;
	s10 =	sld [smem:$0x3FBA];
	_ =	sdelay $0x3  }
0x37: {  	[smem:$0x3FBA] =	sst s10  }
0x38: {  	s10 =	sld [smem:$0x3FBB]  }
0x39: {  	_ = 	snop;
	(pc) =	sbr.ind lr, $3  }
0x3a: {  	_ = 	snop  }
0x3b: {  	_ = 	snop  }
0x3c: {  	p2 =	seq.s32 s10, $0x1;
	s10 =	sld [smem:$0x3FBA]  }
0x3d: {  	_ =	shalt  }
0x3e: {  	_ =	shalt  }
0x3f: {  	_ =	shalt  }
0x40: {  	_ =	shalt  }
0x41: {  	_ =	shalt  }
0x42: {  	_ =	shalt  }
0x43: {  	_ =	shalt  }
0x44: {  	_ =	shalt  }
0x45: {  	_ =	shalt  }
0x46: {  	_ =	shalt  }
0x47: {  	_ =	shalt  }
0x48: {  	_ =	shalt  }
0x49: {  	_ =	shalt  }
0x4a: {  	_ =	shalt  }
0x4b: {  	_ =	shalt  }
0x4c: {  	_ =	shalt  }
0x4d: {  	_ =	shalt  }
0x4e: {  	_ =	shalt  }
0x4f: {  	_ =	shalt  }
0x50: {  	_ =	shalt  }
0x51: {  	_ =	shalt  }
0x52: {  	_ =	shalt  }
0x53: {  	_ =	shalt  }
0x54: {  	_ =	shalt  }
0x55: {  	_ =	shalt  }
0x56: {  	_ =	shalt  }
0x57: {  	_ =	shalt  }
0x58: {  	_ =	shalt  }
0x59: {  	_ =	shalt  }
0x5a: {  	_ =	shalt  }
0x5b: {  	_ =	shalt  }
0x5c: {  	_ =	shalt  }
0x5d: {  	_ =	shalt  }
0x5e: {  	_ =	shalt  }
0x5f: {  	_ =	shalt  }
0x60: {  	_ =	shalt  }
0x61: {  	_ =	shalt  }
0x62: {  	_ =	shalt  }
0x63: {  	_ =	shalt  }
0x64: {  	_ =	shalt  }
0x65: {  	_ =	shalt  }
0x66: {  	_ =	shalt  }
0x67: {  	_ =	shalt  }
0x68: {  	_ =	shalt  }
0x69: {  	_ =	shalt  }
0x6a: {  	_ =	shalt  }
0x6b: {  	_ =	shalt  }
0x6c: {  	_ =	shalt  }
0x6d: {  	_ =	shalt  }
0x6e: {  	_ =	shalt  }
0x6f: {  	_ =	shalt  }
0x70: {  	_ =	shalt  }
0x71: {  	_ =	shalt  }
0x72: {  	_ =	shalt  }
0x73: {  	_ =	shalt  }
0x74: {  	_ =	shalt  }
0x75: {  	_ =	shalt  }
0x76: {  	_ =	shalt  }
0x77: {  	_ =	shalt  }
0x78: {  	_ =	shalt  }
0x79: {  	_ =	shalt  }
0x7a: {  	_ =	shalt  }
0x7b: {  	_ =	shalt  }
0x7c: {  	_ =	shalt  }
0x7d: {  	_ =	shalt  }
0x7e: {  	_ =	shalt  }
0x7f: {  	_ =	shalt  }
0x80: {  	_ =	shalt  }
0x81: {  	_ =	shalt  }
0x82: {  	_ =	shalt  }
0x83: {  	_ =	shalt  }
0x84: {  	_ =	shalt  }
0x85: {  	_ =	shalt  }
0x86: {  	_ =	shalt  }
0x87: {  	_ =	shalt  }
.Lfunc_end0:
.L_simem_size_0:
called_computation_lowered:
.L_overlay_start_0:
0x88: {  	s2 =	sld [smem:$0x3FD9]  }
0x89: {  	s3 =	sld [smem:$0x3FFE];
	_ =	sdelay $0x1  }
0x8a: {  	s1 =	srdreg.scid  }
0x8b: {  	s0 =	sand.u32 $0x1, s1  }
0x8c: {  	s18 =	sshll.u32 s0, $0xA;
	s2 =	sadd.s32 s3, s2  }
0x8d: {  	s2 =	sadd.s32 s2, s18  }
0x8e: {  	[smem:$0x3FC6] =	sst s2  }
0x8f: {  	_ = 	snop  }
0x90: {  	s2 =	sld [smem:$0x3FC9]  }
0x91: {  	s19 =	sld [smem:$0x3FC8]  }
0x92: {  	s4 =	sld [smem:$0x3FD0];
	(tm) =	ssettm $0x1  }
0x93: {  	s5 =	sld [smem:$0x3FFB];
	_ =	sdelay $0x3  }
0x94: {  	_ =	strace s5  }
0x95: {  	s5 =	sld [smem:$0x3FFC];
	_ =	sdelay $0x3  }
0x96: {  	_ =	strace s5  }
0x97: {  	s5 =	sld [smem:$0x3FFD];
	_ =	sdelay $0x3  }
0x98: {  	_ =	strace s5  }
0x99: {  	_ =	strace $0x8FFFFFFF  }
0x9a: {  	s20 =	sld [smem:$0x3FDB];
	_ =	sdelay $0x1  }
0x9b: {  	s6 =	simm.s32 $_scs_section_size  }
0x9c: {  	s7 =	simm.s32 $_size__tile_overlayer_lowered;
	s8 =	simm.s32 $_tile_overlayer_lowered  }
0x9d: {  	s23 =	simm.s32 $0x1BFF;
	s22 =	sshll.u32 s8, $0x1;
	s5 =	sadd.s32 s6, s20  }
0x9e: {  	s9 =	simm.s32 $0x0;
	s21 =	sshll.u32 s7, $0x1;
	s7 =	sadd.s32 s22, s5  }
0x9f: {  	[timem:s9], [sflag:s23] =	dma.local [hbm:s7], s21  }
0xa0: {  	_ =	swait.ge [sflag:s23], s21  }
0xa1: {  	s6 =	ssub.s32 $0x0, s21;
	[sflag:s23] =	ssyncset.done $0x0  }
0xa2: {  	[sflag:s23] =	ssyncadd.s32 s6;
	_ =	sdelay $0x1  }
0xa3: {  	s24 =	simm.s32 $0x1B8B  }
0xa4: {  	_ =	swait.ge [sflag:s24], $0x1  }
0xa5: {  	[sflag:s24] =	ssyncset.done $0x0  }
0xa6: {  	s25 =	simm.s32 $0x1B8E;
	[sflag:s24] =	ssyncadd.s32 $0xFFFFFFFF  }
0xa7: {  	s26 =	simm.s32 $execute0_lowered;
	[smem:$0x3FD2] =	sst s25  }
0xa8: {  	s6 =	sshll.u32 s26, $0x1;
	_ =	strace $0x80000046;
	[dreg:$0x1] =	wrdreg $0xFFFFFFFF  }
0xa9: {  	s28 =	simm.s32 $_size_execute0_lowered;
	s5 =	sadd.s32 s5, s6;
	[dreg:$0x0] =	wrdreg $0x0  }
0xaa: {  	s6 =	sshll.u32 s28, $0x1;
	[dreg:$0x2] =	wrdreg s5  }
0xab: {  	[dreg:$0x3] =	wrdreg s6  }
0xac: {  	[dreg:$0x4] =	wrdreg $0xC0  }
0xad: {  	_ =	task [dreg:s9], $0x5FFFF  }
0xae: {  	[dreg:$0x1] =	wrdreg $0xFFFFFFFF  }
0xaf: {  	[dreg:$0x0] =	wrdreg $0x60  }
0xb0: {  	[dreg:$0x2] =	wrdreg s2  }
0xb1: {  	[dreg:$0x3] =	wrdreg s19  }
0xb2: {  	[dreg:$0x4] =	wrdreg s4  }
0xb3: {  	[dreg:$0x5] =	wrdreg $0x9  }
0xb4: {  	_ =	task.clear_ibuf [dreg:s9], $0x6FFFF;
	_ =	strace $0x90000046  }
0xb5: {  	s29 =	simm.s32 $0x9;
	_ =	strace $0x80000048  }
0xb6: {  	_ =	swait.ge [sflag:s29], $0x1  }
0xb7: {  	[sflag:s29] =	ssyncadd.s32 $0xFFFFFFFF  }
0xb8: {  	_ =	strace $0x90000048  }
0xb9: {  	_ =	sfence  }
0xba: {  	s30 =	sld [smem:$0x0];
	_ =	sdelay $0x2  }
0xbb: {  	s31 =	sshll.u32 s1, $0xD;
	s1 =	sshrl.u32 s1, $0x2  }
0xbc: {  	s3 =	sand.u32 $0x4000, s31;
	s1 =	sadd.s32 s1, s30  }
0xbd: {  	s0 =	sor.u32 s3, s0;
	s1 =	sshll.u32 s1, $0x11  }
0xbe: {  	s0 =	sor.u32 s1, s0  }
0xbf: {  	s0 =	sadd.s32 $0x8F2B, s0  }
0xc0: {  	[sflag:s0] =	ssyncadd.remote.s32 $0x1  }
0xc1: {  	_ =	sfence.sel $0xFFFF  }
0xc2: {  	[dreg:$0x0] =	wrdreg $0xFFFFFFFF;
	(pc) =	sbr.abs _section_cstart, $3  }
0xc3: {  	[dreg:$0x1] =	wrdreg $0xFFFFFFFF  }
0xc4: {  	_ =	task.clear_ibuf [dreg:s9], $0x2FFFF;
	_ =	strace $0x9FFFFFFF  }
0xc5: {  	(tm) =	ssettm $0x7FFFFFFF  }
tec
execute0_lowered:
.L_overlay_start_1:
0x0: {  	(tag) =	ssettag $0x1  }
0x1: {  	s1 =	rddreg [dreg:$0x0];
	s0 =	srdreg.scid  }
0x2: {  	s30 =	rddreg [dreg:$0x2];
	s15 =	stileid.u32  }
0x3: {  	_ =	strace $0x80000047;
	s17 =	simm.s32 $0x0;
	s31 =	simm.s32 $0x9800  }
0x4: {  	s10 =	simm.s32 $0xA000;
	s29 =	simm.s32 $0x12000;
	s19 =	simm.s32 $0x14000  }
0x5: {  	s20 =	simm.s32 $0x14800;
	s21 =	simm.s32 $0x15000;
	s0 =	sand.u32 $0x1, s0  }
0x6: {  	s22 =	sshll.u32 s15, $0x1;
	s4 =	sadd.s32 $0x100, s1;
	s5 =	sadd.s32 $0x200, s1  }
0x7: {  	s6 =	sadd.s32 $0x300, s1;
	s28 =	sadd.s32 $0x100, s30;
	s8 =	sadd.s32 $0x200, s30  }
0x8: {  	s9 =	sadd.s32 $0x300, s30;
	s11 =	sshll.u32 s15, $0xD;
	s13 =	sshll.u32 s15, $0x4  }
0x9: {  	s25 =	sshll.u32 s15, $0xB;
	s2 =	ssub.s32 $0x2, s0;
	s12 =	sshll.u32 s0, $0xC  }
0xa: {  	s14 =	sshll.u32 s0, $0x3;
	s3 =	sshrl.u32 s2, $0x1;
	s11 =	sor.u32 s12, s11  }
0xb: {  	s23 =	sor.u32 s13, s14;
	s2 =	ssub.s32 s2, s3;
	s3 =	sor.u32 s0, s22  }
0xc: {  	s12 =	sor.u32 $0x100, s11;
	s13 =	smax.u32 s23, $0x1;
	s0 =	sshll.u32 s0, $0xA  }
0xd: {  	s11 =	sor.u32 $0x40, s11;
	s22 =	simm.s32 $0x15800;
	s2 =	smax.u32 s2, $0x1  }
0xe: {  	[dreg:$0x5] =	wrdreg s13;
	s24 =	sshrl.u32 s12, $0x2;
	s15 =	sor.u32 s0, s25  }
0xf: {  	s26 =	sshrl.u32 s11, $0x2;
	p0 =	sne.s32 s3, $0x0;
	[dreg:$0x4] =	wrdreg s2  }
0x10: {  	v0 =	vlaneseq.u32;
	s3 =	simm.s32 $0x0;
	s25 =	simm.s32 $0x17000;
	[dreg:$0x7] =	wrdreg s24  }
0x11: {  	vm0 =	vmmov $0xffff;
	v2 =	vshrl.u32 v0, $0x3;
	s2 =	ssub.s32 $0x100, s23;
	[dreg:$0x8] =	wrdreg s26;
	s26 =	simm.s32 $0x11000  }
0x12: {  	v1 =	vand.u32 $0x7, v0;
	v3 =	vor.u32 $0x8, v0;
	v2 =	vmul.u32 $0x8, v2;
	s23 =	simm.s32 $0x16000;
	s24 =	simm.s32 $0x16800;
	[dreg:$0x6] =	wrdreg s2  }
.LBB2_1:
0x13: {  	[dreg:$0x9] =	wrdreg s3  }
.Ltmp0:
0x14: {  	s2 =	rddreg [dreg:$0x1];
	s18 =	simm.s32 $0x5;
	(pc) =	sbr.rel @!p0 .LBB2_2-.Ltmp0, $4  }
0x15: {  	[tilespmem:s17], [sflag:$0x5] =	stream.linear.gather [hbm4b:s2+s17], $0x8000, $0x38;
	[tilespmem:$0x19000] =	vst v63  }
0x16: {  	_ =	swait.ge [sflag:s18], $0x8000  }
0x17: {  	[sflag:s18] =	ssyncset.done $0x0  }
0x18: {  	v4 =	vimm.s32 $0x0;
	s2 =	simm.s32 $0x40;
	[sflag:s18] =	ssyncadd.s32 $0xFFFF8000  }
0x19: {  	v10 =	vld [tilespmem:s2+$0xFFFFFFD0];
	s3 =	rddreg [dreg:$0x5]  }
0x1a: {  	v6 =	vld [tilespmem:s2+$0xFFFFFFF0];
	p1 =	seq.s32 s3, $0x1  }
.Ltmp1:
0x1b: {  	v5 =	vld [tilespmem:s2+$0x10];
	(pc) =	sbr.rel @p1 .LBB2_5-.Ltmp1, $4  }
0x1c: {  	v8 =	vld [tilespmem:s2+$0xFFFFFFC0]  }
0x1d: {  	v7 =	vld [tilespmem:s2+$0xFFFFFFE0]  }
0x1e: {  	v9 =	vld [tilespmem:s2+$0x0]  }
0x1f: {  	v14 =	vld [tilespmem:s2+$0x20];
	v11 =	vimm.s32 $0x0;
	v12 =	vimm.s32 $0x0;
	v13 =	vimm.s32 $0x0;
	s3 =	sadd.s32 $0xFFFFFFFF, s3  }
.LBB2_4:
0x20: {  	p1 =	seq.s32 s3, $0x1;
	v15 =	vld [tilespmem:s2+$0x30];
	s2 =	sadd.s32 $0x80, s2;
	v16 =	vmov v5  }
0x21: {  	v17 =	vld [tilespmem:s2+$0xFFFFFFD0]  }
0x22: {  	v4 =	vadd.s32 v4, v8;
	v18 =	vld [tilespmem:s2+$0xFFFFFFF0]  }
.Ltmp2:
0x23: {  	v4 =	vadd.s32 v10, v4;
	v5 =	vld [tilespmem:s2+$0x10];
	(pc) =	sbr.rel @!p1 .LBB2_4-.Ltmp2, $4  }
0x24: {  	v19 =	vadd.s32 v11, v7;
	v9 =	vadd.s32 v12, v9;
	v8 =	vld [tilespmem:s2+$0xFFFFFFC0];
	v13 =	vadd.s32 v13, v14  }
0x25: {  	v11 =	vadd.s32 v6, v19;
	v12 =	vadd.s32 v16, v9;
	v7 =	vld [tilespmem:s2+$0xFFFFFFE0];
	v13 =	vadd.s32 v15, v13  }
0x26: {  	v9 =	vld [tilespmem:s2+$0x0];
	v10 =	vmov v17  }
0x27: {  	s3 =	sadd.s32 $0xFFFFFFFF, s3;
	v14 =	vld [tilespmem:s2+$0x20];
	v6 =	vmov v18  }
.LBB2_5:
0x28: {  	v15 =	vld [tilespmem:s2+$0x30]  }
.Ltmp3:
0x29: {  	_ = 	snop;
	(pc) =	sbr.rel .LBB2_6-.Ltmp3, $4  }
0x2a: {  	v4 =	vadd.s32 v4, v8  }
0x2b: {  	v4 =	vadd.s32 v10, v4  }
0x2c: {  	v7 =	vadd.s32 v11, v7;
	v8 =	vadd.s32 v12, v9;
	v63 =	vadd.s32 v13, v14  }
0x2d: {  	v6 =	vadd.s32 v6, v7;
	v7 =	vadd.s32 v5, v8;
	v5 =	vadd.s32 v15, v63  }
.LBB2_2:
0x2e: {  	v6 =	vimm.s32 $0x0;
	v7 =	vimm.s32 $0x0;
	v5 =	vimm.s32 $0x0  }
.LBB2_6:
0x2f: {  	s11 =	rddreg [dreg:$0x7]  }
0x30: {  	s2 =	rddreg [dreg:$0x6];
	v13 =	vld [tilespmem:s11+$0xFFFFFFD0]  }
0x31: {  	v9 =	vld [tilespmem:s11+$0xFFFFFFF0];
	p1 =	sne.s32 s2, $0x1  }
.Ltmp4:
0x32: {  	v8 =	vld [tilespmem:s11+$0x10];
	(pc) =	sbr.rel @!p1 .LBB2_8-.Ltmp4, $4  }
0x33: {  	v11 =	vld [tilespmem:s11+$0xFFFFFFC0]  }
0x34: {  	v10 =	vld [tilespmem:s11+$0xFFFFFFE0]  }
0x35: {  	v12 =	vld [tilespmem:s11+$0x0]  }
0x36: {  	v14 =	vmovc v4;
	v16 =	vmov v6;
	v17 =	vmov v7;
	v18 =	vmov v5;
	v15 =	vld [tilespmem:s11+$0x20];
	s3 =	sadd.s32 $0xFFFFFFFF, s2;
	s2 =	smov.u32 s11  }
.LBB2_7:
0x37: {  	p1 =	sne.s32 s3, $0x1;
	v19 =	vld [tilespmem:s2+$0x30];
	s2 =	sadd.s32 $0x80, s2;
	v20 =	vmov v8  }
0x38: {  	v21 =	vld [tilespmem:s2+$0xFFFFFFD0]  }
0x39: {  	v11 =	vadd.s32 v14, v11;
	v22 =	vld [tilespmem:s2+$0xFFFFFFF0]  }
.Ltmp5:
0x3a: {  	v14 =	vadd.s32 v13, v11;
	v8 =	vld [tilespmem:s2+$0x10];
	(pc) =	sbr.rel @p1 .LBB2_7-.Ltmp5, $4  }
0x3b: {  	v23 =	vadd.s32 v16, v10;
	v12 =	vadd.s32 v17, v12;
	v11 =	vld [tilespmem:s2+$0xFFFFFFC0];
	v15 =	vadd.s32 v18, v15  }
0x3c: {  	v16 =	vadd.s32 v9, v23;
	v17 =	vadd.s32 v20, v12;
	v10 =	vld [tilespmem:s2+$0xFFFFFFE0];
	v18 =	vadd.s32 v19, v15  }
0x3d: {  	v12 =	vld [tilespmem:s2+$0x0];
	v13 =	vmov v21  }
0x3e: {  	s3 =	sadd.s32 $0xFFFFFFFF, s3;
	v15 =	vld [tilespmem:s2+$0x20];
	v9 =	vmov v22  }
.LBB2_8:
0x3f: {  	v19 =	vld [tilespmem:s2+$0x30]  }
0x40: {  	v4 =	vadd.s32 v4, v6  }
0x41: {  	v11 =	vadd.s32 v14, v11;
	v4 =	vadd.s32 v7, v4;
	v10 =	vadd.s32 v16, v10  }
0x42: {  	v11 =	vadd.s32 v13, v11;
	v12 =	vadd.s32 v17, v12;
	v9 =	vadd.s32 v9, v10  }
0x43: {  	v61 =	vadd.s32 v18, v15;
	v6 =	vadd.s32 v8, v12;
	v7 =	vadd.s32 v11, v9  }
0x44: {  	v4 =	vadd.s32 v5, v4;
	v62 =	vadd.s32 v19, v61;
	v5 =	vadd.s32 v6, v7  }
0x45: {  	(xrf0) =	vadd.scan.msk.s32 $0xffff, v4;
	v4 =	vadd.s32 v62, v5  }
0x46: {  	(xrf0) =	vadd.scan.msk.s32 $0xffff, v4;
	_ =	sdelay $0x4  }
0x47: {  	v4, _, _ =	vpop (xrf0)  }
0x48: {  	(v2sf) =	vpush v4, $0xF;
	v4, _, _ =	vpop (xrf0)  }
0x49: {  	(v2sf) =	vpush v4, $0xF;
	_ =	sdelay $0x3  }
0x4a: {  	s14 =	rddreg [dreg:$0x8]  }
0x4b: {  	v5 =	vld [tilespmem:s14+$0xFFFFFFF0];
	_ =	sdelay $0x4  }
0x4c: {  	(xrf0) =	vadd.scan.msk.s32 $0xffff, v5;
	_ =	sdelay $0x3  }
0x4d: {  	s3 =	spop (v2sf)  }
0x4e: {  	s18 =	spop (v2sf)  }
0x4f: {  	s11 =	sadd.s32 $0x0, s15;
	v7, _, _ =	vpop (xrf0);
	v6 =	vsub.s32 s3, v5;
	s2 =	ssub.s32 $0x8000, s18  }
0x50: {  	v63 =	vor.u32 s11, v0;
	v6 =	vadd.s32 v7, v6;
	v4 =	vmov s2  }
0x51: {  	vm1 =	veq.s32 v5, $0x0;
	v5 =	vsub.s32 v63, v6;
	v6 =	vadd.s32 v4, v6  }
0x52: {  	v5 =	vsel vm1, v5, v6;
	v6 =	vxor.u32 $0x80000000, v7  }
0x53: {  	s2 =	simm.s32 $0x8010;
	(xrf0) =	vmax.scan.msk.u32 $0xffff, v6  }
0x54: {  	[tilespmem:s2+$0xFFFFFFF0] =	vst v5  }
0x55: {  	v5 =	vld [tilespmem:s14+$0x0];
	_ =	sdelay $0x3  }
0x56: {  	v6, _, _ =	vpop (xrf0)  }
0x57: {  	(xrf0) =	vadd.scan.msk.s32 $0xffff, v5;
	(v2sf) =	vpush v6, $0xF;
	_ =	sdelay $0x5  }
0x58: {  	v6, _, _ =	vpop (xrf0)  }
0x59: {  	v7 =	vxor.u32 $0x80000000, v6  }
0x5a: {  	(xrf0) =	vmax.scan.msk.u32 $0xffff, v7;
	_ =	sdelay $0x5  }
0x5b: {  	v7, _, _ =	vpop (xrf0)  }
0x5c: {  	(v2sf) =	vpush v7, $0xF;
	s12 =	spop (v2sf)  }
0x5d: {  	s3 =	sadd.s32 s12, s3  }
0x5e: {  	s11 =	sadd.s32 $0x10, s11;
	v6 =	vsub.s32 v6, v5;
	s13 =	sadd.s32 $0x80000000, s3  }
0x5f: {  	v7 =	vor.u32 s11, v0;
	v6 =	vadd.s32 s13, v6  }
0x60: {  	vm1 =	veq.s32 v5, $0x0;
	v5 =	vsub.s32 v7, v6;
	v6 =	vadd.s32 v4, v6  }
0x61: {  	v5 =	vsel vm1, v5, v6  }
0x62: {  	s11 =	sadd.s32 $0x20, s14;
	[tilespmem:s2+$0x0] =	vst v5  }
0x63: {  	v5 =	vld [tilespmem:s11+$0xFFFFFFF0];
	_ =	sdelay $0x4  }
0x64: {  	(xrf0) =	vadd.scan.msk.s32 $0xffff, v5;
	_ =	sdelay $0x2  }
0x65: {  	s0 =	smov.u32 s1;
	s7 =	simm.s32 $0x0;
	s16 =	spop (v2sf)  }
0x66: {  	s18 =	simm.s32 $0x40;
	s12 =	simm.s32 $0x20;
	s13 =	sadd.s32 s16, s13  }
.LBB2_9:
0x67: {  	p1 =	sne.s32 s18, $0x3E0;
	s13 =	sadd.s32 $0x80000000, s13;
	s2 =	sadd.s32 $0x80, s2  }
0x68: {  	s16 =	sadd.s32 s12, s15;
	s12 =	smov.u32 s18;
	s18 =	sadd.s32 $0x20, s18;
	v6 =	vsub.s32 s13, v5;
	v7, _, _ =	vpop (xrf0)  }
0x69: {  	v8 =	vor.u32 s16, v0;
	s16 =	sadd.s32 $0x10, s16;
	v6 =	vadd.s32 v7, v6;
	v7 =	vxor.u32 $0x80000000, v7  }
0x6a: {  	vm1 =	veq.s32 v5, $0x0;
	v5 =	vsub.s32 v8, v6;
	v6 =	vadd.s32 v4, v6;
	(xrf0) =	vmax.scan.msk.u32 $0xffff, v7  }
0x6b: {  	v5 =	vsel vm1, v5, v6  }
0x6c: {  	[tilespmem:s2+$0xFFFFFFF0] =	vst v5  }
0x6d: {  	v5 =	vld [tilespmem:s11+$0x0];
	_ =	sdelay $0x2  }
0x6e: {  	v6, _, _ =	vpop (xrf0)  }
0x6f: {  	(v2sf) =	vpush v6, $0xF  }
0x70: {  	(xrf0) =	vadd.scan.msk.s32 $0xffff, v5;
	_ =	sdelay $0x5  }
0x71: {  	v6, _, _ =	vpop (xrf0)  }
0x72: {  	v7 =	vsub.s32 v6, v5;
	v6 =	vxor.u32 $0x80000000, v6  }
0x73: {  	(xrf0) =	vmax.scan.msk.u32 $0xffff, v6;
	_ =	sdelay $0x5  }
0x74: {  	s14 =	spop (v2sf);
	v6, _, _ =	vpop (xrf0)  }
0x75: {  	s13 =	sadd.s32 s14, s13;
	(v2sf) =	vpush v6, $0xF;
	_ =	sdelay $0x1  }
0x76: {  	s13 =	sadd.s32 $0x80000000, s13  }
0x77: {  	v6 =	vadd.s32 s13, v7;
	v7 =	vor.u32 s16, v0  }
0x78: {  	vm1 =	veq.s32 v5, $0x0;
	v5 =	vsub.s32 v7, v6;
	v6 =	vadd.s32 v4, v6  }
0x79: {  	v5 =	vsel vm1, v5, v6  }
0x7a: {  	s11 =	sadd.s32 $0x20, s11;
	[tilespmem:s2+$0x0] =	vst v5  }
0x7b: {  	v5 =	vld [tilespmem:s11+$0xFFFFFFF0];
	_ =	sdelay $0x4  }
.Ltmp6:
0x7c: {  	(xrf0) =	vadd.scan.msk.s32 $0xffff, v5;
	(pc) =	sbr.rel @p1 .LBB2_9-.Ltmp6, $3  }
0x7d: {  	_ =	sdelay $0x1  }
0x7e: {  	s14 =	spop (v2sf)  }
0x7f: {  	s13 =	sadd.s32 s14, s13  }
0x80: {  	s13 =	sadd.s32 $0x80000000, s13  }
0x81: {  	s12 =	sadd.s32 s12, s15;
	v6 =	vsub.s32 s13, v5;
	v7, _, _ =	vpop (xrf0)  }
0x82: {  	v8 =	vor.u32 s12, v0;
	v6 =	vadd.s32 v7, v6  }
0x83: {  	vm1 =	veq.s32 v5, $0x0;
	v5 =	vsub.s32 v8, v6;
	v6 =	vadd.s32 v4, v6  }
0x84: {  	s2 =	sadd.s32 $0x80, s2;
	v5 =	vsel vm1, v5, v6  }
0x85: {  	[tilespmem:s2+$0xFFFFFFF0] =	vst v5  }
0x86: {  	v5 =	vld [tilespmem:s11+$0x0];
	_ =	sdelay $0x2  }
0x87: {  	v58 =	vxor.u32 $0x80000000, v7  }
0x88: {  	(xrf0) =	vmax.scan.msk.u32 $0xffff, v58  }
0x89: {  	(xrf0) =	vadd.scan.msk.s32 $0xffff, v5;
	_ =	sdelay $0x4  }
0x8a: {  	v6, _, _ =	vpop (xrf0)  }
0x8b: {  	v59, _, _ =	vpop (xrf0)  }
0x8c: {  	v60 =	vxor.u32 $0x80000000, v59  }
0x8d: {  	(xrf0) =	vmax.scan.msk.u32 $0xffff, v60  }
0x8e: {  	(v2sf) =	vpush v6, $0xF;
	_ =	sdelay $0x4  }
0x8f: {  	v61, _, _ =	vpop (xrf0)  }
0x90: {  	(v2sf) =	vpush v61, $0xF;
	_ =	sdelay $0x8  }
0x91: {  	s16 =	spop (v2sf)  }
0x92: {  	s11 =	sadd.s32 s16, s13  }
0x93: {  	s12 =	sadd.s32 $0x10, s12;
	v62 =	vsub.s32 v59, v5;
	s11 =	sadd.s32 $0x80000000, s11  }
0x94: {  	v63 =	vor.u32 s12, v0;
	v6 =	vadd.s32 s11, v62  }
0x95: {  	vm1 =	veq.s32 v5, $0x0;
	v5 =	vsub.s32 v63, v6;
	v4 =	vadd.s32 v4, v6  }
0x96: {  	v4 =	vsel vm1, v5, v4  }
0x97: {  	s11 =	simm.s32 $0xB800;
	[tilespmem:s2+$0x0] =	vst v4;
	s18 =	spop (v2sf)  }
.LBB2_11:
0x98: {  	p1 =	seq.s32 s7, $0x0  }
0x99: {  	s2 =	simm.s32 @!p1 $0x3  }
0x9a: {  	_ =	swait.ge @!p1 [sflag:s2], $0x8000  }
0x9b: {  	[sflag:s2] =	ssyncset.done @!p1 $0x0  }
0x9c: {  	[sflag:s2] =	ssyncadd.s32 @!p1 $0xFFFF8000;
	s2 =	sshra.s32 s7, $0x2  }
0x9d: {  	v4 =	vld [tilespmem:s2+$0x8000];
	_ =	sdelay $0x4  }
0x9e: {  	v5 =	vshll.u32 v4, $0x3  }
0x9f: {  	v4 =	vand.u32 $0x7, v4;
	v5 =	vand.u32 $0xFFFFFFC0, v5  }
0xa0: {  	v4 =	vor.u32 v4, v5  }
0xa1: {  	v5 =	vperm.xlane v4, v1;
	_ =	sdelay $0x1  }
0xa2: {  	v5 =	vadd.s32 v2, v5;
	_ =	sdelay $0x3  }
0xa3: {  	s1 =	simm.s32 $0x9000  }
0xa4: {  	[tilespmem:s1], [sflag:$0x1] =	stream.indirect_vreg.gather [hbm4b:s0+s17], $0x80, v5, vm0, $0xb8;
	[tilespmem:$0x19000] =	vst v63  }
0xa5: {  	v4 =	vperm.xlane v4, v3  }
0xa6: {  	[tilespmem:s31], [sflag:$0x1] =	stream.indirect_vreg.gather [hbm4b:s4+s17], $0x80, v5, vm0, $0xb8;
	[tilespmem:$0x19000] =	vst v63  }
0xa7: {  	v4 =	vadd.s32 v2, v4  }
0xa8: {  	[tilespmem:s10], [sflag:$0x1] =	stream.indirect_vreg.gather [hbm4b:s5+s17], $0x80, v5, vm0, $0xb8;
	[tilespmem:$0x19000] =	vst v63  }
0xa9: {  	s12 =	simm.s32 $0xA800  }
0xaa: {  	[tilespmem:s12], [sflag:$0x1] =	stream.indirect_vreg.gather [hbm4b:s6+s17], $0x80, v5, vm0, $0xb8;
	[tilespmem:$0x19000] =	vst v63  }
0xab: {  	s13 =	simm.s32 $0xB000  }
0xac: {  	[tilespmem:s13], [sflag:$0x1] =	stream.indirect_vreg.gather [hbm4b:s0+s17], $0x80, v4, vm0, $0xb8;
	[tilespmem:$0x19000] =	vst v63  }
0xad: {  	_ = 	snop  }
0xae: {  	[tilespmem:s11], [sflag:$0x1] =	stream.indirect_vreg.gather [hbm4b:s4+s17], $0x80, v4, vm0, $0xb8;
	[tilespmem:$0x19000] =	vst v63  }
0xaf: {  	s3 =	simm.s32 $0xC000  }
0xb0: {  	[tilespmem:s3], [sflag:$0x1] =	stream.indirect_vreg.gather [hbm4b:s5+s17], $0x80, v4, vm0, $0xb8;
	[tilespmem:$0x19000] =	vst v63  }
0xb1: {  	s16 =	simm.s32 $0xC800  }
0xb2: {  	[tilespmem:s16], [sflag:$0x1] =	stream.indirect_vreg.gather [hbm4b:s6+s17], $0x80, v4, vm0, $0xb8;
	[tilespmem:$0x19000] =	vst v63  }
0xb3: {  	v4 =	vld [tilespmem:s2+$0x8010];
	_ =	sdelay $0x4  }
0xb4: {  	v5 =	vshll.u32 v4, $0x3  }
0xb5: {  	v4 =	vand.u32 $0x7, v4;
	v5 =	vand.u32 $0xFFFFFFC0, v5  }
0xb6: {  	v4 =	vor.u32 v4, v5  }
0xb7: {  	v5 =	vperm.xlane v4, v1;
	_ =	sdelay $0x1  }
0xb8: {  	v5 =	vadd.s32 v2, v5;
	_ =	sdelay $0x3  }
0xb9: {  	s18 =	simm.s32 $0xD000  }
0xba: {  	[tilespmem:s18], [sflag:$0x1] =	stream.indirect_vreg.gather [hbm4b:s0+s17], $0x80, v5, vm0, $0xb8;
	[tilespmem:$0x19000] =	vst v63  }
0xbb: {  	s11 =	simm.s32 $0xD800;
	v4 =	vperm.xlane v4, v3  }
0xbc: {  	[tilespmem:s11], [sflag:$0x1] =	stream.indirect_vreg.gather [hbm4b:s4+s17], $0x80, v5, vm0, $0xb8;
	[tilespmem:$0x19000] =	vst v63  }
0xbd: {  	s14 =	simm.s32 $0xE000;
	v4 =	vadd.s32 v2, v4  }
0xbe: {  	[tilespmem:s14], [sflag:$0x1] =	stream.indirect_vreg.gather [hbm4b:s5+s17], $0x80, v5, vm0, $0xb8;
	[tilespmem:$0x19000] =	vst v63  }
0xbf: {  	s16 =	simm.s32 $0xE800  }
0xc0: {  	[tilespmem:s16], [sflag:$0x1] =	stream.indirect_vreg.gather [hbm4b:s6+s17], $0x80, v5, vm0, $0xb8;
	[tilespmem:$0x19000] =	vst v63  }
0xc1: {  	s18 =	simm.s32 $0xF000  }
0xc2: {  	[tilespmem:s18], [sflag:$0x1] =	stream.indirect_vreg.gather [hbm4b:s0+s17], $0x80, v4, vm0, $0xb8;
	[tilespmem:$0x19000] =	vst v63  }
0xc3: {  	s11 =	simm.s32 $0xF800  }
0xc4: {  	[tilespmem:s11], [sflag:$0x1] =	stream.indirect_vreg.gather [hbm4b:s4+s17], $0x80, v4, vm0, $0xb8;
	[tilespmem:$0x19000] =	vst v63  }
0xc5: {  	s14 =	simm.s32 $0x10000  }
0xc6: {  	[tilespmem:s14], [sflag:$0x1] =	stream.indirect_vreg.gather [hbm4b:s5+s17], $0x80, v4, vm0, $0xb8;
	[tilespmem:$0x19000] =	vst v63  }
0xc7: {  	s16 =	simm.s32 $0x10800;
	s11 =	simm.s32 @!p1 $0x4  }
0xc8: {  	[tilespmem:s16], [sflag:$0x1] =	stream.indirect_vreg.gather [hbm4b:s6+s17], $0x80, v4, vm0, $0xb8;
	[tilespmem:$0x19000] =	vst v63  }
0xc9: {  	_ =	swait.ge @!p1 [sflag:s11], $0x8000  }
0xca: {  	[sflag:s11] =	ssyncset.done @!p1 $0x0  }
0xcb: {  	[sflag:s11] =	ssyncadd.s32 @!p1 $0xFFFF8000  }
0xcc: {  	v4 =	vld [tilespmem:s2+$0x8080];
	_ =	sdelay $0x4  }
0xcd: {  	v5 =	vshll.u32 v4, $0x3  }
0xce: {  	v4 =	vand.u32 $0x7, v4;
	v5 =	vand.u32 $0xFFFFFFC0, v5  }
0xcf: {  	v4 =	vor.u32 v4, v5  }
0xd0: {  	v5 =	vperm.xlane v4, v1;
	_ =	sdelay $0x1  }
0xd1: {  	v5 =	vadd.s32 v2, v5;
	_ =	sdelay $0x4  }
0xd2: {  	[tilespmem:s26], [sflag:$0x2] =	stream.indirect_vreg.gather [hbm4b:s0+s17], $0x80, v5, vm0, $0xb8;
	[tilespmem:$0x19000] =	vst v63  }
0xd3: {  	s14 =	simm.s32 $0x11800;
	v4 =	vperm.xlane v4, v3  }
0xd4: {  	[tilespmem:s14], [sflag:$0x2] =	stream.indirect_vreg.gather [hbm4b:s4+s17], $0x80, v5, vm0, $0xb8;
	[tilespmem:$0x19000] =	vst v63  }
0xd5: {  	v4 =	vadd.s32 v2, v4  }
0xd6: {  	[tilespmem:s29], [sflag:$0x2] =	stream.indirect_vreg.gather [hbm4b:s5+s17], $0x80, v5, vm0, $0xb8;
	[tilespmem:$0x19000] =	vst v63  }
0xd7: {  	s18 =	simm.s32 $0x12800  }
0xd8: {  	[tilespmem:s18], [sflag:$0x2] =	stream.indirect_vreg.gather [hbm4b:s6+s17], $0x80, v5, vm0, $0xb8;
	[tilespmem:$0x19000] =	vst v63  }
0xd9: {  	s16 =	simm.s32 $0x13000  }
0xda: {  	[tilespmem:s16], [sflag:$0x2] =	stream.indirect_vreg.gather [hbm4b:s0+s17], $0x80, v4, vm0, $0xb8;
	[tilespmem:$0x19000] =	vst v63  }
0xdb: {  	s18 =	simm.s32 $0x13800  }
0xdc: {  	[tilespmem:s18], [sflag:$0x2] =	stream.indirect_vreg.gather [hbm4b:s4+s17], $0x80, v4, vm0, $0xb8;
	[tilespmem:$0x19000] =	vst v63  }
0xdd: {  	_ = 	snop  }
0xde: {  	[tilespmem:s19], [sflag:$0x2] =	stream.indirect_vreg.gather [hbm4b:s5+s17], $0x80, v4, vm0, $0xb8;
	[tilespmem:$0x19000] =	vst v63  }
0xdf: {  	_ = 	snop  }
0xe0: {  	[tilespmem:s20], [sflag:$0x2] =	stream.indirect_vreg.gather [hbm4b:s6+s17], $0x80, v4, vm0, $0xb8;
	[tilespmem:$0x19000] =	vst v63  }
0xe1: {  	v4 =	vld [tilespmem:s2+$0x8090];
	_ =	sdelay $0x4  }
0xe2: {  	v5 =	vshll.u32 v4, $0x3  }
0xe3: {  	v4 =	vand.u32 $0x7, v4;
	v5 =	vand.u32 $0xFFFFFFC0, v5  }
0xe4: {  	v4 =	vor.u32 v4, v5  }
0xe5: {  	v5 =	vperm.xlane v4, v1;
	_ =	sdelay $0x1  }
0xe6: {  	v5 =	vadd.s32 v2, v5;
	_ =	sdelay $0x4  }
0xe7: {  	[tilespmem:s21], [sflag:$0x2] =	stream.indirect_vreg.gather [hbm4b:s0+s17], $0x80, v5, vm0, $0xb8;
	[tilespmem:$0x19000] =	vst v63  }
0xe8: {  	v4 =	vperm.xlane v4, v3  }
0xe9: {  	[tilespmem:s22], [sflag:$0x2] =	stream.indirect_vreg.gather [hbm4b:s4+s17], $0x80, v5, vm0, $0xb8;
	[tilespmem:$0x19000] =	vst v63  }
0xea: {  	v4 =	vadd.s32 v2, v4  }
0xeb: {  	[tilespmem:s23], [sflag:$0x2] =	stream.indirect_vreg.gather [hbm4b:s5+s17], $0x80, v5, vm0, $0xb8;
	[tilespmem:$0x19000] =	vst v63  }
0xec: {  	_ = 	snop  }
0xed: {  	[tilespmem:s24], [sflag:$0x2] =	stream.indirect_vreg.gather [hbm4b:s6+s17], $0x80, v5, vm0, $0xb8;
	[tilespmem:$0x19000] =	vst v63  }
0xee: {  	_ = 	snop  }
0xef: {  	[tilespmem:s25], [sflag:$0x2] =	stream.indirect_vreg.gather [hbm4b:s0+s17], $0x80, v4, vm0, $0xb8;
	[tilespmem:$0x19000] =	vst v63  }
0xf0: {  	s3 =	simm.s32 $0x17800  }
0xf1: {  	[tilespmem:s3], [sflag:$0x2] =	stream.indirect_vreg.gather [hbm4b:s4+s17], $0x80, v4, vm0, $0xb8;
	[tilespmem:$0x19000] =	vst v63  }
0xf2: {  	s3 =	simm.s32 $0x18000  }
0xf3: {  	[tilespmem:s3], [sflag:$0x2] =	stream.indirect_vreg.gather [hbm4b:s5+s17], $0x80, v4, vm0, $0xb8;
	[tilespmem:$0x19000] =	vst v63  }
0xf4: {  	s3 =	simm.s32 $0x18800  }
0xf5: {  	[tilespmem:s3], [sflag:$0x2] =	stream.indirect_vreg.gather [hbm4b:s6+s17], $0x80, v4, vm0, $0xb8;
	[tilespmem:$0x19000] =	vst v63  }
0xf6: {  	s3 =	simm.s32 $0x1  }
0xf7: {  	_ =	swait.ge [sflag:s3], $0x8000  }
0xf8: {  	[sflag:s3] =	ssyncset.done $0x0  }
0xf9: {  	[sflag:s3] =	ssyncadd.s32 $0xFFFF8000  }
0xfa: {  	v4 =	vld [tilespmem:s2+$0x8000];
	_ =	sdelay $0x4  }
0xfb: {  	v5 =	vshll.u32 v4, $0x3  }
0xfc: {  	v4 =	vand.u32 $0x7, v4;
	v5 =	vand.u32 $0xFFFFFFC0, v5  }
0xfd: {  	v4 =	vor.u32 v4, v5  }
0xfe: {  	v5 =	vperm.xlane v4, v1;
	_ =	sdelay $0x1  }
0xff: {  	v5 =	vadd.s32 v2, v5;
	_ =	sdelay $0x4  }
0x100: {  	[hbm4b:s30+s17] =	stream.indirect_vreg.scatter [tilespmem:s1], [sflag:$0x3], $0x80, v5, vm0, $0xb8;
	[tilespmem:$0x19000] =	vst v63  }
0x101: {  	v4 =	vperm.xlane v4, v3  }
0x102: {  	[hbm4b:s28+s17] =	stream.indirect_vreg.scatter [tilespmem:s31], [sflag:$0x3], $0x80, v5, vm0, $0xb8;
	[tilespmem:$0x19000] =	vst v63  }
0x103: {  	v4 =	vadd.s32 v2, v4  }
0x104: {  	[hbm4b:s8+s17] =	stream.indirect_vreg.scatter [tilespmem:s10], [sflag:$0x3], $0x80, v5, vm0, $0xb8;
	[tilespmem:$0x19000] =	vst v63  }
0x105: {  	_ = 	snop  }
0x106: {  	[hbm4b:s9+s17] =	stream.indirect_vreg.scatter [tilespmem:s12], [sflag:$0x3], $0x80, v5, vm0, $0xb8;
	[tilespmem:$0x19000] =	vst v63  }
0x107: {  	_ = 	snop  }
0x108: {  	[hbm4b:s30+s17] =	stream.indirect_vreg.scatter [tilespmem:s13], [sflag:$0x3], $0x80, v4, vm0, $0xb8;
	[tilespmem:$0x19000] =	vst v63  }
0x109: {  	s11 =	simm.s32 $0xB800  }
0x10a: {  	[hbm4b:s28+s17] =	stream.indirect_vreg.scatter [tilespmem:s11], [sflag:$0x3], $0x80, v4, vm0, $0xb8;
	[tilespmem:$0x19000] =	vst v63  }
0x10b: {  	s3 =	simm.s32 $0xC000  }
0x10c: {  	[hbm4b:s8+s17] =	stream.indirect_vreg.scatter [tilespmem:s3], [sflag:$0x3], $0x80, v4, vm0, $0xb8;
	[tilespmem:$0x19000] =	vst v63  }
0x10d: {  	s12 =	simm.s32 $0xC800  }
0x10e: {  	[hbm4b:s9+s17] =	stream.indirect_vreg.scatter [tilespmem:s12], [sflag:$0x3], $0x80, v4, vm0, $0xb8;
	[tilespmem:$0x19000] =	vst v63  }
0x10f: {  	v4 =	vld [tilespmem:s2+$0x8010];
	_ =	sdelay $0x4  }
0x110: {  	v5 =	vshll.u32 v4, $0x3  }
0x111: {  	v4 =	vand.u32 $0x7, v4;
	v5 =	vand.u32 $0xFFFFFFC0, v5  }
0x112: {  	v4 =	vor.u32 v4, v5  }
0x113: {  	v5 =	vperm.xlane v4, v1;
	_ =	sdelay $0x1  }
0x114: {  	v5 =	vadd.s32 v2, v5;
	_ =	sdelay $0x3  }
0x115: {  	s13 =	simm.s32 $0xD000  }
0x116: {  	[hbm4b:s30+s17] =	stream.indirect_vreg.scatter [tilespmem:s13], [sflag:$0x3], $0x80, v5, vm0, $0xb8;
	[tilespmem:$0x19000] =	vst v63  }
0x117: {  	s3 =	simm.s32 $0xD800;
	v4 =	vperm.xlane v4, v3  }
0x118: {  	[hbm4b:s28+s17] =	stream.indirect_vreg.scatter [tilespmem:s3], [sflag:$0x3], $0x80, v5, vm0, $0xb8;
	[tilespmem:$0x19000] =	vst v63  }
0x119: {  	s12 =	simm.s32 $0xE000;
	v4 =	vadd.s32 v2, v4  }
0x11a: {  	[hbm4b:s8+s17] =	stream.indirect_vreg.scatter [tilespmem:s12], [sflag:$0x3], $0x80, v5, vm0, $0xb8;
	[tilespmem:$0x19000] =	vst v63  }
0x11b: {  	s13 =	simm.s32 $0xE800  }
0x11c: {  	[hbm4b:s9+s17] =	stream.indirect_vreg.scatter [tilespmem:s13], [sflag:$0x3], $0x80, v5, vm0, $0xb8;
	[tilespmem:$0x19000] =	vst v63  }
0x11d: {  	s3 =	simm.s32 $0xF000  }
0x11e: {  	[hbm4b:s30+s17] =	stream.indirect_vreg.scatter [tilespmem:s3], [sflag:$0x3], $0x80, v4, vm0, $0xb8;
	[tilespmem:$0x19000] =	vst v63  }
0x11f: {  	s12 =	simm.s32 $0xF800  }
0x120: {  	[hbm4b:s28+s17] =	stream.indirect_vreg.scatter [tilespmem:s12], [sflag:$0x3], $0x80, v4, vm0, $0xb8;
	[tilespmem:$0x19000] =	vst v63  }
0x121: {  	s13 =	simm.s32 $0x10000  }
0x122: {  	[hbm4b:s8+s17] =	stream.indirect_vreg.scatter [tilespmem:s13], [sflag:$0x3], $0x80, v4, vm0, $0xb8;
	[tilespmem:$0x19000] =	vst v63  }
0x123: {  	s3 =	simm.s32 $0x10800;
	s12 =	simm.s32 $0x2  }
0x124: {  	[hbm4b:s9+s17] =	stream.indirect_vreg.scatter [tilespmem:s3], [sflag:$0x3], $0x80, v4, vm0, $0xb8;
	[tilespmem:$0x19000] =	vst v63  }
0x125: {  	_ =	swait.ge [sflag:s12], $0x8000  }
0x126: {  	[sflag:s12] =	ssyncset.done $0x0  }
0x127: {  	[sflag:s12] =	ssyncadd.s32 $0xFFFF8000  }
0x128: {  	v4 =	vld [tilespmem:s2+$0x8080];
	_ =	sdelay $0x4  }
0x129: {  	v5 =	vshll.u32 v4, $0x3  }
0x12a: {  	v4 =	vand.u32 $0x7, v4;
	v5 =	vand.u32 $0xFFFFFFC0, v5  }
0x12b: {  	v4 =	vor.u32 v4, v5  }
0x12c: {  	v5 =	vperm.xlane v4, v1;
	_ =	sdelay $0x1  }
0x12d: {  	v5 =	vadd.s32 v2, v5;
	_ =	sdelay $0x4  }
0x12e: {  	[hbm4b:s30+s17] =	stream.indirect_vreg.scatter [tilespmem:s26], [sflag:$0x4], $0x80, v5, vm0, $0xb8;
	[tilespmem:$0x19000] =	vst v63  }
0x12f: {  	v4 =	vperm.xlane v4, v3  }
0x130: {  	[hbm4b:s28+s17] =	stream.indirect_vreg.scatter [tilespmem:s14], [sflag:$0x4], $0x80, v5, vm0, $0xb8;
	[tilespmem:$0x19000] =	vst v63  }
0x131: {  	v4 =	vadd.s32 v2, v4  }
0x132: {  	[hbm4b:s8+s17] =	stream.indirect_vreg.scatter [tilespmem:s29], [sflag:$0x4], $0x80, v5, vm0, $0xb8;
	[tilespmem:$0x19000] =	vst v63  }
0x133: {  	s13 =	simm.s32 $0x12800  }
0x134: {  	[hbm4b:s9+s17] =	stream.indirect_vreg.scatter [tilespmem:s13], [sflag:$0x4], $0x80, v5, vm0, $0xb8;
	[tilespmem:$0x19000] =	vst v63  }
0x135: {  	_ = 	snop  }
0x136: {  	[hbm4b:s30+s17] =	stream.indirect_vreg.scatter [tilespmem:s16], [sflag:$0x4], $0x80, v4, vm0, $0xb8;
	[tilespmem:$0x19000] =	vst v63  }
0x137: {  	_ = 	snop  }
0x138: {  	[hbm4b:s28+s17] =	stream.indirect_vreg.scatter [tilespmem:s18], [sflag:$0x4], $0x80, v4, vm0, $0xb8;
	[tilespmem:$0x19000] =	vst v63  }
0x139: {  	_ = 	snop  }
0x13a: {  	[hbm4b:s8+s17] =	stream.indirect_vreg.scatter [tilespmem:s19], [sflag:$0x4], $0x80, v4, vm0, $0xb8;
	[tilespmem:$0x19000] =	vst v63  }
0x13b: {  	_ = 	snop  }
0x13c: {  	[hbm4b:s9+s17] =	stream.indirect_vreg.scatter [tilespmem:s20], [sflag:$0x4], $0x80, v4, vm0, $0xb8;
	[tilespmem:$0x19000] =	vst v63  }
0x13d: {  	v4 =	vld [tilespmem:s2+$0x8090];
	_ =	sdelay $0x4  }
0x13e: {  	v5 =	vshll.u32 v4, $0x3  }
0x13f: {  	v4 =	vand.u32 $0x7, v4;
	v5 =	vand.u32 $0xFFFFFFC0, v5  }
0x140: {  	v4 =	vor.u32 v4, v5  }
0x141: {  	v5 =	vperm.xlane v4, v1;
	_ =	sdelay $0x1  }
0x142: {  	v5 =	vadd.s32 v2, v5;
	_ =	sdelay $0x4  }
0x143: {  	[hbm4b:s30+s17] =	stream.indirect_vreg.scatter [tilespmem:s21], [sflag:$0x4], $0x80, v5, vm0, $0xb8;
	[tilespmem:$0x19000] =	vst v63  }
0x144: {  	v4 =	vperm.xlane v4, v3  }
0x145: {  	[hbm4b:s28+s17] =	stream.indirect_vreg.scatter [tilespmem:s22], [sflag:$0x4], $0x80, v5, vm0, $0xb8;
	[tilespmem:$0x19000] =	vst v63  }
0x146: {  	v4 =	vadd.s32 v2, v4  }
0x147: {  	[hbm4b:s8+s17] =	stream.indirect_vreg.scatter [tilespmem:s23], [sflag:$0x4], $0x80, v5, vm0, $0xb8;
	[tilespmem:$0x19000] =	vst v63  }
0x148: {  	_ = 	snop  }
0x149: {  	[hbm4b:s9+s17] =	stream.indirect_vreg.scatter [tilespmem:s24], [sflag:$0x4], $0x80, v5, vm0, $0xb8;
	[tilespmem:$0x19000] =	vst v63  }
0x14a: {  	s7 =	sadd.s32 $0x400, s7  }
0x14b: {  	[hbm4b:s30+s17] =	stream.indirect_vreg.scatter [tilespmem:s25], [sflag:$0x4], $0x80, v4, vm0, $0xb8;
	[tilespmem:$0x19000] =	vst v63  }
0x14c: {  	p1 =	sne.s32 s7, $0x4000;
	s14 =	simm.s32 $0x17800  }
0x14d: {  	[hbm4b:s28+s17] =	stream.indirect_vreg.scatter [tilespmem:s14], [sflag:$0x4], $0x80, v4, vm0, $0xb8;
	[tilespmem:$0x19000] =	vst v63  }
.Ltmp7:
0x14e: {  	_ = 	snop;
	(pc) =	sbr.rel @p1 .LBB2_11-.Ltmp7, $4  }
0x14f: {  	s16 =	simm.s32 $0x18000  }
0x150: {  	[hbm4b:s8+s17] =	stream.indirect_vreg.scatter [tilespmem:s16], [sflag:$0x4], $0x80, v4, vm0, $0xb8;
	[tilespmem:$0x19000] =	vst v63  }
0x151: {  	s18 =	simm.s32 $0x18800  }
0x152: {  	[hbm4b:s9+s17] =	stream.indirect_vreg.scatter [tilespmem:s18], [sflag:$0x4], $0x80, v4, vm0, $0xb8;
	[tilespmem:$0x19000] =	vst v63  }
0x153: {  	s1 =	simm.s32 $0x3  }
0x154: {  	_ =	swait.ge [sflag:s1], $0x8000  }
0x155: {  	[sflag:s1] =	ssyncset.done $0x0  }
0x156: {  	s18 =	simm.s32 $0x4;
	[sflag:s1] =	ssyncadd.s32 $0xFFFF8000  }
0x157: {  	_ =	swait.ge [sflag:s18], $0x8000  }
0x158: {  	s3 =	rddreg [dreg:$0x9]  }
0x159: {  	s2 =	rddreg [dreg:$0x4];
	s3 =	sadd.s32 $0x1, s3  }
0x15a: {  	p1 =	sne.s32 s3, s2  }
.Ltmp8:
0x15b: {  	_ = 	snop;
	(pc) =	sbr.rel @p1 .LBB2_1-.Ltmp8, $3  }
0x15c: {  	_ =	sdelay $0x1  }
0x15d: {  	[sflag:s18] =	ssyncset.done $0x0  }
0x15e: {  	s1 =	smov.u32 s0;
	[sflag:s18] =	ssyncadd.s32 $0xFFFF8000  }
0x15f: {  	_ =	sfence.sel $0x180000  }
0x160: {  	[bflag:$0x0] =	sbarrier.arrive $0xFFFF  }
0x161: {  	_ =	strace $0x90000047  }
0x162: {  	s0 =	stileid.u32;
	[bflag:$0x2] =	sbarrier.arrive $0xFFFF  }
0x163: {  	p0 =	sne.s32 s0, $0x0;
	s0 =	rddreg [dreg:$0x3]  }
0x164: {  	s0 =	sadd.s32 @!p0 $0x100000, s0  }
0x165: {  	[sflag:s0] =	ssyncadd.tile.s32 @!p0 $0x1;
	_ =	shalt  }
.Lfunc_end2:
_tile_overlayer_lowered:
.L_overlay_start_2:
0x166: {  	(tag) =	ssettag $0x2  }
0x167: {  	s0 =	rddreg [dreg:$0x0];
	s2 =	stileid.u32  }
0x168: {  	s1 =	rddreg [dreg:$0x1];
	p0 =	sne.s32 s2, $0x0  }
0x169: {  	s3 =	rddreg [dreg:$0x2];
	[bflag:$0x3] =	sbarrier.arrive $0xFFFF;
	s2 =	simm.s32 @!p0 $0x1C05  }
0x16a: {  	[timem:s3], [sflag:s2] =	dma.local @!p0 [hbm:s0], s1  }
0x16b: {  	s0 =	simm.s32 @!p0 $0x5  }
0x16c: {  	_ =	swait.ge @!p0 [sflag:s0], s1  }
0x16d: {  	s1 =	ssub.s32 @!p0 $0x0, s1;
	[sflag:s0] =	ssyncset.done @!p0 $0x0  }
0x16e: {  	[sflag:s0] =	ssyncadd.s32 @!p0 s1  }
0x16f: {  	[bflag:$0x3] =	sbarrier.arrive $0xFFFF  }
0x170: {  	_ =	shalt  }

</sc_bundles>
